<compile_context>
chip_gen: v7x
topology: tpu7x:2x2x1
jax: 0.10.2.dev20260603
libtpu: 0.0.44.dev20260713+nightly
codegen_flags: <defaults>
</compile_context>

<pallas_src>
import jax
import jax.numpy as jnp
from jax import lax
from jax.experimental import pallas as pl
from jax.experimental.pallas import tpu as pltpu
from jax.experimental.pallas import tpu_sc as plsc

N = 16_000_000
P = 32_000
L = 191
D1 = 25
D2 = 166
UL = P * L
RATIO = 0.5
NC, NS = 2, 16
NW = NC * NS
RANGE = N // NW
CHUNK = 10_000
NCH = RANGE // CHUNK
NCHT = NW * NCH
GB = 128
SB = 2048
FCAP = P + GB


def _sload(ref, i):
    return ref[pl.ds(i, 16)][0]


def _body(x_hbm, r_hbm, sk_hbm, enc_hbm, bounds_hbm, out_hbm,
          r_v, fill_v, idx_v, buf_v, sk_v, enc_v, bounds_v, sem):
    wid = lax.axis_index("s") * NC + lax.axis_index("c")
    base = wid * RANGE
    is_last = wid == NW - 1

    pltpu.sync_copy(r_hbm, r_v.at[pl.ds(0, P)])
    pltpu.sync_copy(bounds_hbm, bounds_v.at[pl.ds(0, NCHT + 1)])

    def first_gt(val):
        def step(_, lh):
            lo, hi = lh
            mid = jnp.minimum((lo + hi) // 2, P - 1)
            go = lo < hi
            pred = _sload(r_v, mid) > val
            lo2 = jnp.where(go & ~pred, mid + 1, lo)
            hi2 = jnp.where(go & pred, mid, hi)
            return lo2, hi2
        lo, _ = lax.fori_loop(0, 15, step, (jnp.int32(0), jnp.int32(P)))
        return lo

    p_lo = jnp.where(is_last, 0, first_gt(base - D2))
    p_hi = jnp.where(is_last, P, first_gt(base + RANGE + D1 - 1))
    wbase = (p_lo // GB) * GB

    nbatch = (p_hi - wbase + GB - 1) // GB

    def gbatch(b, _):
        off = wbase + b * GB
        for g in range(GB // 16):
            rg = r_v[pl.ds(off + g * 16, 16)]
            fi = rg - 26 + jnp.where(rg < 26, N, 0)
            fi = jnp.where(rg == 25, 0, fi)
            idx_v[pl.ds(g * 16, 16)] = jnp.clip(fi, 0, N - 1)
        pltpu.async_copy(x_hbm.at[idx_v], fill_v.at[pl.ds(b * GB, GB)], sem).wait()
        return 0

    lax.fori_loop(0, nbatch, gbatch, 0)

    lane0 = lax.iota(jnp.int32, 16)

    def chunk_body(c, _):
        cb = base + c * CHUNK
        ce = cb + CHUNK
        pltpu.sync_copy(x_hbm.at[pl.ds(cb, CHUNK)], buf_v)

        gcid = wid * NCH + c
        us = jnp.maximum(_sload(bounds_v, gcid) - 64, 0)
        ue = jnp.minimum(_sload(bounds_v, gcid + 1) + 64, UL)
        us0 = us - us % 8
        nsb = (ue - us0 + SB - 1) // SB

        def sbatch(b, _):
            s_off = jnp.minimum(us0 + b * SB, UL - SB)
            s_off = pl.multiple_of(s_off, 8)
            cp1 = pltpu.async_copy(sk_hbm.at[pl.ds(s_off, SB + 16)], sk_v, sem)
            cp2 = pltpu.async_copy(enc_hbm.at[pl.ds(s_off, SB + 16)], enc_v, sem)
            cp1.wait()
            cp2.wait()
            napply = jnp.clip((ue - s_off + 15) // 16, 0, SB // 16)

            def apply16(t, _):
                k16 = sk_v[pl.ds(t * 16, 16)]
                kn16 = sk_v[pl.ds(t * 16 + 1, 16)]
                e16 = enc_v[pl.ds(t * 16, 16)]
                pk = lax.shift_right_logical(lax.bitwise_and(e16, (1 << 23) - 1), 8)
                m = ((k16 != kn16) & (e16 < (1 << 30))
                     & (k16 >= cb) & (k16 < ce))
                fi = jnp.clip(pk - wbase, 0, FCAP - 1)
                vals = plsc.load_gather(fill_v, [fi])
                plsc.store_scatter(buf_v, [jnp.where(m, k16 - cb, lane0)], vals, mask=m)
                return 0

            lax.fori_loop(0, napply, apply16, 0)
            return 0

        lax.fori_loop(0, nsb, sbatch, 0)

        pltpu.sync_copy(buf_v, out_hbm.at[pl.ds(cb, CHUNK)])
        return 0

    lax.fori_loop(0, NCH, chunk_body, 0)


@jax.jit
def _qtmask_sc(x1d, r32, sk, enc, bounds):
    mesh = plsc.VectorSubcoreMesh(core_axis_name="c", subcore_axis_name="s",
                                  num_cores=NC, num_subcores=NS)
    fn = pl.kernel(
        _body,
        out_type=jax.ShapeDtypeStruct((N,), jnp.float32),
        mesh=mesh,
        scratch_types=[
            pltpu.VMEM((P + GB,), jnp.int32),
            pltpu.VMEM((FCAP + 16,), jnp.float32),
            pltpu.VMEM((GB,), jnp.int32),
            pltpu.VMEM((CHUNK,), jnp.float32),
            pltpu.VMEM((SB + 16,), jnp.int32),
            pltpu.VMEM((SB + 16,), jnp.int32),
            pltpu.VMEM((NCHT + 1 + 16,), jnp.int32),
            pltpu.SemaphoreType.DMA,
        ],
        compiler_params=pltpu.CompilerParams(needs_layout_passes=False),
        name="qtmask_sc",
    )
    return fn(x1d, r32, sk, enc, bounds)


def kernel(x, r_peaks, rand_vals):
    r32 = r_peaks.astype(jnp.int32)
    offsets = jnp.arange(-D1, D2, dtype=jnp.int32)
    pos = r32[:, None] + offsets[None, :]
    flat = (pos % N).reshape(-1)
    pk2 = lax.broadcasted_iota(jnp.int32, (P, L), 0)
    off2 = lax.broadcasted_iota(jnp.int32, (P, L), 1)
    lose = jnp.where((rand_vals[:, None] > RATIO) & (pos < N), 0, 1 << 30)
    enc0 = (lax.shift_left(pk2, 8) | off2 | lose).reshape(-1)
    sk, enc = lax.sort((flat, enc0), dimension=0, num_keys=1, is_stable=False)
    a = jnp.maximum(r32 - D1, 0)
    b = jnp.minimum(r32 + D2, N)
    csum_len = jnp.concatenate([jnp.zeros((1,), jnp.int32),
                                jnp.cumsum(b - a, dtype=jnp.int32)])
    csum_a = jnp.concatenate([jnp.zeros((1,), jnp.int32),
                              jnp.cumsum(a, dtype=jnp.int32)])
    hi_wrap = jnp.sum(jnp.maximum(r32 + D2 - N, 0), dtype=jnp.int32)
    grid = jnp.arange(0, N + 1, CHUNK, dtype=jnp.int32)
    i1 = jnp.searchsorted(b, grid, side="right").astype(jnp.int32)
    i2 = jnp.searchsorted(a, grid, side="left").astype(jnp.int32)
    bounds = (csum_len[i1] + grid * (i2 - i1) - (csum_a[i2] - csum_a[i1])
              + hi_wrap)
    bounds = bounds.at[0].set(0).at[-1].set(UL)
    skp = jnp.pad(sk, (0, 16), constant_values=N + 7)
    encp = jnp.pad(enc, (0, 16), constant_values=0)
    out = _qtmask_sc(x.reshape(N), r32, skp, encp, bounds)
    return out.reshape(1, N)

# --- scband reference (transcript-rebuilt; emitter-appended) ---
"""Pipeline reference for scband-qtmask-38929583571042 (READ-ONLY COPY).

The authoritative reference and input builder live on the scoring server;
editing this copy changes nothing except your own understanding.
"""

import jax, jax.numpy as jnp
import numpy as np

SR = 500
RATIO = 0.5
N = 16000000
P = 32000


def setup_inputs(seed: int = 0) -> dict:
    key = jax.random.key(seed)
    k1, k2, k3 = jax.random.split(key, 3)
    x = jax.random.normal(k1, (1, N), dtype=jnp.float32)
    r_peaks = jnp.sort(jax.random.randint(k2, (P,), 0, N)).astype(jnp.int64)
    rand_vals = jax.random.uniform(k3, (P,), dtype=jnp.float32)
    return {"x": x, "r_peaks": r_peaks, "rand_vals": rand_vals}


def reference(x, r_peaks, rand_vals):
    # QTMask: for each R-peak ri, the interval [ri-dur1, ri+dur2) (truncated at the
    # signal end) is overwritten with the sample just before the interval start
    # (x[..., interval[0]-1], or x[..., 0] if the interval starts at 0), but only
    # when the per-peak random draw exceeds ratio. torch.rand(1) per peak is
    # externalized as rand_vals. Negative indices wrap (mod N), matching torch
    # negative-index semantics.
    sr = SR
    ratio = RATIO
    n = x.shape[-1]
    dur1, dur2 = sr // 20, sr // 3
    L = dur1 + dur2
    p = r_peaks.shape[0]
    offsets = jnp.arange(-dur1, dur2)
    pos = r_peaks[:, None] + offsets[None, :]            # [P, L]
    start = r_peaks - dur1                                # [P]
    fill_idx = jnp.where(start != 0, (start - 1) % n, 0)  # [P]
    fill_val = x[:, fill_idx]                             # [1, P] gather
    apply_mask = rand_vals > ratio                        # [P]
    valid = pos < n                                       # torch filters interval < len
    pos_mod = pos % n                                     # wrap negatives like torch
    flat_idx = pos_mod.reshape(-1)                        # [P*L]
    cur = x[:, flat_idx]                                  # [1, P*L] current values
    fill_bcast = jnp.broadcast_to(fill_val[:, :, None], (1, p, L)).reshape(1, -1)
    write_mask = (apply_mask[:, None] & valid).reshape(-1)[None, :]
    write_vals = jnp.where(write_mask, fill_bcast, cur)   # no-op where masked out
    out = x.at[:, flat_idx].set(write_vals)               # scatter-overwrite
    return out

if __name__ == "__main__":
    import jax
    _d = setup_inputs()
    print(jax.jit(kernel)(*tuple(_d.values())))

</pallas_src>

<mosaic_0001>
#map = affine_map<(d0, d1) -> (0)>
module attributes {stable_mosaic.version = 14 : i64} {
  func.func @qtmask_sc(%arg0: i32, %arg1: i32, %arg2: memref<16000000xf32, #tpu.memory_space<hbm>>, %arg3: memref<32000xi32, #tpu.memory_space<hbm>>, %arg4: memref<6112016xi32, #tpu.memory_space<hbm>>, %arg5: memref<6112016xi32, #tpu.memory_space<hbm>>, %arg6: memref<1601xi32, #tpu.memory_space<hbm>>, %arg7: memref<16000000xf32, #tpu.memory_space<hbm>>, %arg8: memref<32128xi32, #tpu.memory_space<vmem>>, %arg9: memref<32144xf32, #tpu.memory_space<vmem>>, %arg10: memref<128xi32, #tpu.memory_space<vmem>>, %arg11: memref<10000xf32, #tpu.memory_space<vmem>>, %arg12: memref<2064xi32, #tpu.memory_space<vmem>>, %arg13: memref<2064xi32, #tpu.memory_space<vmem>>, %arg14: memref<1617xi32, #tpu.memory_space<vmem>>, %arg15: memref<!tpu.dma_semaphore, #tpu.memory_space<semaphore_mem>>) attributes {dimension_semantics = [#tpu.dimension_semantics<core_parallel>, #tpu.dimension_semantics<subcore_parallel>], iteration_bounds = array<i64: 2, 16>, scalar_prefetch = 0 : i64, scratch_operands = 8 : i64, tpu.core_type = #tpu.core_type<sc_vector_subcore>, window_params = [{transform_indices = #map}, {transform_indices = #map}, {transform_indices = #map}, {transform_indices = #map}, {transform_indices = #map}, {transform_indices = #map}]} {
    %mul3A = arith.constant 2 : i32
    %mul3A_0 = arith.muli %arg1, %mul3A : i32
    %add3A = arith.addi %mul3A_0, %arg0 : i32
    %mul3A_1 = arith.constant 500000 : i32
    %mul3A_2 = arith.muli %add3A, %mul3A_1 : i32
    %eq3A = arith.constant 31 : i32
    %eq3A_3 = arith.cmpi eq, %add3A, %eq3A : i32
    "tpu.region"() ({
      %run_scoped3A = tpu.sem_alloc : memref<!tpu.dma_semaphore, #tpu.memory_space<semaphore_mem>>
      %dma_start3A = arith.constant 0 : i32
      %dma_start3A_96 = tpu.memref_slice %arg8[%dma_start3A] : memref<32128xi32, #tpu.memory_space<vmem>> -> memref<32000xi32, #tpu.memory_space<vmem>>
      %dma_start3A_97 = arith.constant 0 : i32
      %dma_start3A_98 = tpu.memref_slice %arg8[%dma_start3A_97] : memref<32128xi32, #tpu.memory_space<vmem>> -> memref<32000xi32, #tpu.memory_space<vmem>>
      tpu.enqueue_dma source(%arg3 : memref<32000xi32, #tpu.memory_space<hbm>>) target(%dma_start3A_98 : memref<32000xi32, #tpu.memory_space<vmem>>) target_semaphore(%run_scoped3A : memref<!tpu.dma_semaphore, #tpu.memory_space<semaphore_mem>>)
      %dma_wait3A = arith.constant 0 : i32
      %dma_wait3A_99 = tpu.memref_slice %arg8[%dma_wait3A] : memref<32128xi32, #tpu.memory_space<vmem>> -> memref<32000xi32, #tpu.memory_space<vmem>>
      %dma_wait3A_100 = arith.constant 0 : i32
      %dma_wait3A_101 = tpu.memref_slice %arg8[%dma_wait3A_100] : memref<32128xi32, #tpu.memory_space<vmem>> -> memref<32000xi32, #tpu.memory_space<vmem>>
      tpu.wait_dma2 semaphore(%run_scoped3A : memref<!tpu.dma_semaphore, #tpu.memory_space<semaphore_mem>>) src(%arg3 : memref<32000xi32, #tpu.memory_space<hbm>>) dst(%dma_wait3A_101 : memref<32000xi32, #tpu.memory_space<vmem>>)
      tpu.yield
    }) : () -> ()
    "tpu.region"() ({
      %run_scoped3A = tpu.sem_alloc : memref<!tpu.dma_semaphore, #tpu.memory_space<semaphore_mem>>
      %dma_start3A = arith.constant 0 : i32
      %dma_start3A_96 = tpu.memref_slice %arg14[%dma_start3A] : memref<1617xi32, #tpu.memory_space<vmem>> -> memref<1601xi32, #tpu.memory_space<vmem>>
      %dma_start3A_97 = arith.constant 0 : i32
      %dma_start3A_98 = tpu.memref_slice %arg14[%dma_start3A_97] : memref<1617xi32, #tpu.memory_space<vmem>> -> memref<1601xi32, #tpu.memory_space<vmem>>
      tpu.enqueue_dma source(%arg6 : memref<1601xi32, #tpu.memory_space<hbm>>) target(%dma_start3A_98 : memref<1601xi32, #tpu.memory_space<vmem>>) target_semaphore(%run_scoped3A : memref<!tpu.dma_semaphore, #tpu.memory_space<semaphore_mem>>)
      %dma_wait3A = arith.constant 0 : i32
      %dma_wait3A_99 = tpu.memref_slice %arg14[%dma_wait3A] : memref<1617xi32, #tpu.memory_space<vmem>> -> memref<1601xi32, #tpu.memory_space<vmem>>
      %dma_wait3A_100 = arith.constant 0 : i32
      %dma_wait3A_101 = tpu.memref_slice %arg14[%dma_wait3A_100] : memref<1617xi32, #tpu.memory_space<vmem>> -> memref<1601xi32, #tpu.memory_space<vmem>>
      tpu.wait_dma2 semaphore(%run_scoped3A : memref<!tpu.dma_semaphore, #tpu.memory_space<semaphore_mem>>) src(%arg6 : memref<1601xi32, #tpu.memory_space<hbm>>) dst(%dma_wait3A_101 : memref<1601xi32, #tpu.memory_space<vmem>>)
      tpu.yield
    }) : () -> ()
    %sub3A = arith.constant 166 : i32
    %sub3A_4 = arith.subi %mul3A_2, %sub3A : i32
    %scan3A = arith.constant 0 : i32
    %scan3A_5 = arith.constant 32000 : i32
    %scan3A_6 = arith.constant 0 : i32
    %scan3A_7 = arith.constant 15 : i32
    %scan3A_8 = arith.addi %scan3A_6, %scan3A_7 : i32
    %scan3A_9 = arith.constant 1 : i32
    %scan3A_10:2 = scf.for %scan3A_96 = %scan3A_6 to %scan3A_8 step %scan3A_9 iter_args(%scan3A_97 = %scan3A, %scan3A_98 = %scan3A_5) -> (i32, i32)  : i32 {
      %add3A_99 = arith.addi %scan3A_97, %scan3A_98 : i32
      %jit3A_100 = arith.constant 2 : i32
      %div3A_101 = arith.divsi %add3A_99, %jit3A_100 : i32
      %sign3A_102 = arith.constant 0 : i32
      %sign3A_103 = arith.cmpi sgt, %add3A_99, %sign3A_102 : i32
      %sign3A_104 = arith.extui %sign3A_103 : i1 to i32
      %sign3A_105 = arith.constant 0 : i32
      %sign3A_106 = arith.cmpi slt, %add3A_99, %sign3A_105 : i32
      %sign3A_107 = arith.extui %sign3A_106 : i1 to i32
      %sign3A_108 = arith.subi %sign3A_104, %sign3A_107 : i32
      %sign3A_109 = arith.constant 0 : i32
      %sign3A_110 = arith.cmpi sgt, %jit3A_100, %sign3A_109 : i32
      %sign3A_111 = arith.extui %sign3A_110 : i1 to i32
      %sign3A_112 = arith.constant 0 : i32
      %sign3A_113 = arith.cmpi slt, %jit3A_100, %sign3A_112 : i32
      %sign3A_114 = arith.extui %sign3A_113 : i1 to i32
      %sign3A_115 = arith.subi %sign3A_111, %sign3A_114 : i32
      %ne3A_116 = arith.cmpi ne, %sign3A_108, %sign3A_115 : i32
      %rem3A_117 = arith.remsi %add3A_99, %jit3A_100 : i32
      %ne3A_118 = arith.constant 0 : i32
      %ne3A_119 = arith.cmpi ne, %rem3A_117, %ne3A_118 : i32
      %and3A_120 = arith.andi %ne3A_116, %ne3A_119 : i1
      %sub3A_121 = arith.constant 1 : i32
      %sub3A_122 = arith.subi %div3A_101, %sub3A_121 : i32
      %select_n3A_123 = arith.select %and3A_120, %sub3A_122, %div3A_101 : i32
      %min3A = arith.constant 31999 : i32
      %min3A_124 = arith.minsi %select_n3A_123, %min3A : i32
      %lt3A = arith.cmpi slt, %scan3A_97, %scan3A_98 : i32
      %get3A = arith.index_cast %min3A_124 : i32 to index
      %get3A_125 = tpu.vector_load %arg8[%get3A] {strides = array<i32>} : memref<32128xi32, #tpu.memory_space<vmem>>, vector<16xi32>,
      %slice3A = vector.extract_strided_slice %get3A_125 {offsets = [0], sizes = [1], strides = [1]} : vector<16xi32> to vector<1xi32>
      %squeeze3A = vector.extract %slice3A[0] : i32 from vector<1xi32>
      %gt3A = arith.cmpi sgt, %squeeze3A, %sub3A_4 : i32
      %not3A = arith.constant true
      %not3A_126 = arith.xori %gt3A, %not3A : i1
      %and3A_127 = arith.andi %lt3A, %not3A_126 : i1
      %add3A_128 = arith.constant 1 : i32
      %add3A_129 = arith.addi %min3A_124, %add3A_128 : i32
      %select_n3A_130 = arith.select %and3A_127, %add3A_129, %scan3A_97 : i32
      %and3A_131 = arith.andi %lt3A, %gt3A : i1
      %select_n3A_132 = arith.select %and3A_131, %min3A_124, %scan3A_98 : i32
      scf.yield %select_n3A_130, %select_n3A_132 : i32, i32
    }
    %scan3A_11 = arith.constant 15 : i32
    %jit3A = arith.constant 0 : i32
    %select_n3A = arith.select %eq3A_3, %jit3A, %scan3A_10#0 : i32
    %add3A_12 = arith.constant 500000 : i32
    %add3A_13 = arith.addi %mul3A_2, %add3A_12 : i32
    %add3A_14 = arith.constant 25 : i32
    %add3A_15 = arith.addi %add3A_13, %add3A_14 : i32
    %sub3A_16 = arith.constant 1 : i32
    %sub3A_17 = arith.subi %add3A_15, %sub3A_16 : i32
    %scan3A_18 = arith.constant 0 : i32
    %scan3A_19 = arith.constant 32000 : i32
    %scan3A_20 = arith.constant 0 : i32
    %scan3A_21 = arith.constant 15 : i32
    %scan3A_22 = arith.addi %scan3A_20, %scan3A_21 : i32
    %scan3A_23 = arith.constant 1 : i32
    %scan3A_24:2 = scf.for %scan3A_96 = %scan3A_20 to %scan3A_22 step %scan3A_23 iter_args(%scan3A_97 = %scan3A_18, %scan3A_98 = %scan3A_19) -> (i32, i32)  : i32 {
      %add3A_99 = arith.addi %scan3A_97, %scan3A_98 : i32
      %jit3A_100 = arith.constant 2 : i32
      %div3A_101 = arith.divsi %add3A_99, %jit3A_100 : i32
      %sign3A_102 = arith.constant 0 : i32
      %sign3A_103 = arith.cmpi sgt, %add3A_99, %sign3A_102 : i32
      %sign3A_104 = arith.extui %sign3A_103 : i1 to i32
      %sign3A_105 = arith.constant 0 : i32
      %sign3A_106 = arith.cmpi slt, %add3A_99, %sign3A_105 : i32
      %sign3A_107 = arith.extui %sign3A_106 : i1 to i32
      %sign3A_108 = arith.subi %sign3A_104, %sign3A_107 : i32
      %sign3A_109 = arith.constant 0 : i32
      %sign3A_110 = arith.cmpi sgt, %jit3A_100, %sign3A_109 : i32
      %sign3A_111 = arith.extui %sign3A_110 : i1 to i32
      %sign3A_112 = arith.constant 0 : i32
      %sign3A_113 = arith.cmpi slt, %jit3A_100, %sign3A_112 : i32
      %sign3A_114 = arith.extui %sign3A_113 : i1 to i32
      %sign3A_115 = arith.subi %sign3A_111, %sign3A_114 : i32
      %ne3A_116 = arith.cmpi ne, %sign3A_108, %sign3A_115 : i32
      %rem3A_117 = arith.remsi %add3A_99, %jit3A_100 : i32
      %ne3A_118 = arith.constant 0 : i32
      %ne3A_119 = arith.cmpi ne, %rem3A_117, %ne3A_118 : i32
      %and3A_120 = arith.andi %ne3A_116, %ne3A_119 : i1
      %sub3A_121 = arith.constant 1 : i32
      %sub3A_122 = arith.subi %div3A_101, %sub3A_121 : i32
      %select_n3A_123 = arith.select %and3A_120, %sub3A_122, %div3A_101 : i32
      %min3A = arith.constant 31999 : i32
      %min3A_124 = arith.minsi %select_n3A_123, %min3A : i32
      %lt3A = arith.cmpi slt, %scan3A_97, %scan3A_98 : i32
      %get3A = arith.index_cast %min3A_124 : i32 to index
      %get3A_125 = tpu.vector_load %arg8[%get3A] {strides = array<i32>} : memref<32128xi32, #tpu.memory_space<vmem>>, vector<16xi32>,
      %slice3A = vector.extract_strided_slice %get3A_125 {offsets = [0], sizes = [1], strides = [1]} : vector<16xi32> to vector<1xi32>
      %squeeze3A = vector.extract %slice3A[0] : i32 from vector<1xi32>
      %gt3A = arith.cmpi sgt, %squeeze3A, %sub3A_17 : i32
      %not3A = arith.constant true
      %not3A_126 = arith.xori %gt3A, %not3A : i1
      %and3A_127 = arith.andi %lt3A, %not3A_126 : i1
      %add3A_128 = arith.constant 1 : i32
      %add3A_129 = arith.addi %min3A_124, %add3A_128 : i32
      %select_n3A_130 = arith.select %and3A_127, %add3A_129, %scan3A_97 : i32
      %and3A_131 = arith.andi %lt3A, %gt3A : i1
      %select_n3A_132 = arith.select %and3A_131, %min3A_124, %scan3A_98 : i32
      scf.yield %select_n3A_130, %select_n3A_132 : i32, i32
    }
    %scan3A_25 = arith.constant 15 : i32
    %jit3A_26 = arith.constant 32000 : i32
    %select_n3A_27 = arith.select %eq3A_3, %jit3A_26, %scan3A_24#0 : i32
    %jit3A_28 = arith.constant 128 : i32
    %div3A = arith.divsi %select_n3A, %jit3A_28 : i32
    %sign3A = arith.constant 0 : i32
    %sign3A_29 = arith.cmpi sgt, %select_n3A, %sign3A : i32
    %sign3A_30 = arith.extui %sign3A_29 : i1 to i32
    %sign3A_31 = arith.constant 0 : i32
    %sign3A_32 = arith.cmpi slt, %select_n3A, %sign3A_31 : i32
    %sign3A_33 = arith.extui %sign3A_32 : i1 to i32
    %sign3A_34 = arith.subi %sign3A_30, %sign3A_33 : i32
    %sign3A_35 = arith.constant 0 : i32
    %sign3A_36 = arith.cmpi sgt, %jit3A_28, %sign3A_35 : i32
    %sign3A_37 = arith.extui %sign3A_36 : i1 to i32
    %sign3A_38 = arith.constant 0 : i32
    %sign3A_39 = arith.cmpi slt, %jit3A_28, %sign3A_38 : i32
    %sign3A_40 = arith.extui %sign3A_39 : i1 to i32
    %sign3A_41 = arith.subi %sign3A_37, %sign3A_40 : i32
    %ne3A = arith.cmpi ne, %sign3A_34, %sign3A_41 : i32
    %rem3A = arith.remsi %select_n3A, %jit3A_28 : i32
    %ne3A_42 = arith.constant 0 : i32
    %ne3A_43 = arith.cmpi ne, %rem3A, %ne3A_42 : i32
    %and3A = arith.andi %ne3A, %ne3A_43 : i1
    %sub3A_44 = arith.constant 1 : i32
    %sub3A_45 = arith.subi %div3A, %sub3A_44 : i32
    %select_n3A_46 = arith.select %and3A, %sub3A_45, %div3A : i32
    %mul3A_47 = arith.constant 128 : i32
    %mul3A_48 = arith.muli %select_n3A_46, %mul3A_47 : i32
    %sub3A_49 = arith.subi %select_n3A_27, %mul3A_48 : i32
    %add3A_50 = arith.constant 128 : i32
    %add3A_51 = arith.addi %sub3A_49, %add3A_50 : i32
    %sub3A_52 = arith.constant 1 : i32
    %sub3A_53 = arith.subi %add3A_51, %sub3A_52 : i32
    %jit3A_54 = arith.constant 128 : i32
    %div3A_55 = arith.divsi %sub3A_53, %jit3A_54 : i32
    %sign3A_56 = arith.constant 0 : i32
    %sign3A_57 = arith.cmpi sgt, %sub3A_53, %sign3A_56 : i32
    %sign3A_58 = arith.extui %sign3A_57 : i1 to i32
    %sign3A_59 = arith.constant 0 : i32
    %sign3A_60 = arith.cmpi slt, %sub3A_53, %sign3A_59 : i32
    %sign3A_61 = arith.extui %sign3A_60 : i1 to i32
    %sign3A_62 = arith.subi %sign3A_58, %sign3A_61 : i32
    %sign3A_63 = arith.constant 0 : i32
    %sign3A_64 = arith.cmpi sgt, %jit3A_54, %sign3A_63 : i32
    %sign3A_65 = arith.extui %sign3A_64 : i1 to i32
    %sign3A_66 = arith.constant 0 : i32
    %sign3A_67 = arith.cmpi slt, %jit3A_54, %sign3A_66 : i32
    %sign3A_68 = arith.extui %sign3A_67 : i1 to i32
    %sign3A_69 = arith.subi %sign3A_65, %sign3A_68 : i32
    %ne3A_70 = arith.cmpi ne, %sign3A_62, %sign3A_69 : i32
    %rem3A_71 = arith.remsi %sub3A_53, %jit3A_54 : i32
    %ne3A_72 = arith.constant 0 : i32
    %ne3A_73 = arith.cmpi ne, %rem3A_71, %ne3A_72 : i32
    %and3A_74 = arith.andi %ne3A_70, %ne3A_73 : i1
    %sub3A_75 = arith.constant 1 : i32
    %sub3A_76 = arith.subi %div3A_55, %sub3A_75 : i32
    %select_n3A_77 = arith.select %and3A_74, %sub3A_76, %div3A_55 : i32
    %while3A = arith.constant 0 : i32
    %while3A_78 = arith.constant 0 : i32
    %while3A_79 = arith.subi %select_n3A_77, %while3A : i32
    %while3A_80 = arith.addi %while3A, %while3A_79 : i32
    %while3A_81 = arith.constant 1 : i32
    %while3A_82 = arith.divsi %while3A_79, %while3A_81 : i32
    %while3A_83 = arith.muli %while3A_82, %while3A_81 : i32
    %while3A_84 = arith.addi %while3A, %while3A_83 : i32
    %while3A_85 = arith.constant 1 : i32
    %while3A_86 = scf.for %while3A_96 = %while3A to %while3A_84 step %while3A_85 iter_args(%while3A_97 = %while3A_78) -> (i32)  : i32 {
      %mul3A_98 = arith.constant 128 : i32
      %mul3A_99 = arith.muli %while3A_96, %mul3A_98 : i32
      %add3A_100 = arith.addi %mul3A_48, %mul3A_99 : i32
      %add3A_101 = arith.constant 0 : i32
      %add3A_102 = arith.addi %add3A_100, %add3A_101 : i32
      %get3A = arith.index_cast %add3A_102 : i32 to index
      %get3A_103 = tpu.vector_load %arg8[%get3A] {strides = array<i32>} : memref<32128xi32, #tpu.memory_space<vmem>>, vector<16xi32>,
      %sub3A_104 = arith.constant 26 : i32
      %sub3A_105 = vector.broadcast %sub3A_104 : i32 to vector<16xi32>
      %sub3A_106 = arith.subi %get3A_103, %sub3A_105 : vector<16xi32>
      %lt3A = arith.constant 26 : i32
      %lt3A_107 = vector.broadcast %lt3A : i32 to vector<16xi32>
      %lt3A_108 = arith.cmpi slt, %get3A_103, %lt3A_107 : vector<16xi32>
      %jit3A_109 = arith.constant 16000000 : i32
      %jit3A_110 = arith.constant 0 : i32
      %broadcast_in_dim3A = vector.broadcast %jit3A_109 : i32 to vector<16xi32>
      %broadcast_in_dim3A_111 = vector.broadcast %jit3A_110 : i32 to vector<16xi32>
      %select_n3A_112 = arith.select %lt3A_108, %broadcast_in_dim3A, %broadcast_in_dim3A_111 : vector<16xi1>, vector<16xi32>
      %add3A_113 = arith.addi %sub3A_106, %select_n3A_112 : vector<16xi32>
      %eq3A_114 = arith.constant 25 : i32
      %eq3A_115 = vector.broadcast %eq3A_114 : i32 to vector<16xi32>
      %eq3A_116 = arith.cmpi eq, %get3A_103, %eq3A_115 : vector<16xi32>
      %jit3A_117 = arith.constant 0 : i32
      %broadcast_in_dim3A_118 = vector.broadcast %jit3A_117 : i32 to vector<16xi32>
      %select_n3A_119 = arith.select %eq3A_116, %broadcast_in_dim3A_118, %add3A_113 : vector<16xi1>, vector<16xi32>
      %jit3A_120 = arith.constant 0 : i32
      %jit3A_121 = arith.constant 15999999 : i32
      %max3A = vector.broadcast %jit3A_120 : i32 to vector<16xi32>
      %max3A_122 = arith.maxsi %max3A, %select_n3A_119 : vector<16xi32>
      %min3A = vector.broadcast %jit3A_121 : i32 to vector<16xi32>
      %min3A_123 = arith.minsi %min3A, %max3A_122 : vector<16xi32>
      %swap3A = arith.constant 0 : index
      %swap3A_124 = tpu.vector_load %arg10[%swap3A] {strides = array<i32>} : memref<128xi32, #tpu.memory_space<vmem>>, vector<16xi32>,
      tpu.vector_store %arg10[%swap3A], %min3A_123 {strides = array<i32>} : memref<128xi32, #tpu.memory_space<vmem>>, vector<16xi32>,
      %add3A_125 = arith.constant 16 : i32
      %add3A_126 = arith.addi %add3A_100, %add3A_125 : i32
      %get3A_127 = arith.index_cast %add3A_126 : i32 to index
      %get3A_128 = tpu.vector_load %arg8[%get3A_127] {strides = array<i32>} : memref<32128xi32, #tpu.memory_space<vmem>>, vector<16xi32>,
      %sub3A_129 = arith.constant 26 : i32
      %sub3A_130 = vector.broadcast %sub3A_129 : i32 to vector<16xi32>
      %sub3A_131 = arith.subi %get3A_128, %sub3A_130 : vector<16xi32>
      %lt3A_132 = arith.constant 26 : i32
      %lt3A_133 = vector.broadcast %lt3A_132 : i32 to vector<16xi32>
      %lt3A_134 = arith.cmpi slt, %get3A_128, %lt3A_133 : vector<16xi32>
      %jit3A_135 = arith.constant 16000000 : i32
      %jit3A_136 = arith.constant 0 : i32
      %broadcast_in_dim3A_137 = vector.broadcast %jit3A_135 : i32 to vector<16xi32>
      %broadcast_in_dim3A_138 = vector.broadcast %jit3A_136 : i32 to vector<16xi32>
      %select_n3A_139 = arith.select %lt3A_134, %broadcast_in_dim3A_137, %broadcast_in_dim3A_138 : vector<16xi1>, vector<16xi32>
      %add3A_140 = arith.addi %sub3A_131, %select_n3A_139 : vector<16xi32>
      %eq3A_141 = arith.constant 25 : i32
      %eq3A_142 = vector.broadcast %eq3A_141 : i32 to vector<16xi32>
      %eq3A_143 = arith.cmpi eq, %get3A_128, %eq3A_142 : vector<16xi32>
      %jit3A_144 = arith.constant 0 : i32
      %broadcast_in_dim3A_145 = vector.broadcast %jit3A_144 : i32 to vector<16xi32>
      %select_n3A_146 = arith.select %eq3A_143, %broadcast_in_dim3A_145, %add3A_140 : vector<16xi1>, vector<16xi32>
      %jit3A_147 = arith.constant 0 : i32
      %jit3A_148 = arith.constant 15999999 : i32
      %max3A_149 = vector.broadcast %jit3A_147 : i32 to vector<16xi32>
      %max3A_150 = arith.maxsi %max3A_149, %select_n3A_146 : vector<16xi32>
      %min3A_151 = vector.broadcast %jit3A_148 : i32 to vector<16xi32>
      %min3A_152 = arith.minsi %min3A_151, %max3A_150 : vector<16xi32>
      %swap3A_153 = arith.constant 16 : index
      %swap3A_154 = tpu.vector_load %arg10[%swap3A_153] {strides = array<i32>} : memref<128xi32, #tpu.memory_space<vmem>>, vector<16xi32>,
      tpu.vector_store %arg10[%swap3A_153], %min3A_152 {strides = array<i32>} : memref<128xi32, #tpu.memory_space<vmem>>, vector<16xi32>,
      %add3A_155 = arith.constant 32 : i32
      %add3A_156 = arith.addi %add3A_100, %add3A_155 : i32
      %get3A_157 = arith.index_cast %add3A_156 : i32 to index
      %get3A_158 = tpu.vector_load %arg8[%get3A_157] {strides = array<i32>} : memref<32128xi32, #tpu.memory_space<vmem>>, vector<16xi32>,
      %sub3A_159 = arith.constant 26 : i32
      %sub3A_160 = vector.broadcast %sub3A_159 : i32 to vector<16xi32>
      %sub3A_161 = arith.subi %get3A_158, %sub3A_160 : vector<16xi32>
      %lt3A_162 = arith.constant 26 : i32
      %lt3A_163 = vector.broadcast %lt3A_162 : i32 to vector<16xi32>
      %lt3A_164 = arith.cmpi slt, %get3A_158, %lt3A_163 : vector<16xi32>
      %jit3A_165 = arith.constant 16000000 : i32
      %jit3A_166 = arith.constant 0 : i32
      %broadcast_in_dim3A_167 = vector.broadcast %jit3A_165 : i32 to vector<16xi32>
      %broadcast_in_dim3A_168 = vector.broadcast %jit3A_166 : i32 to vector<16xi32>
      %select_n3A_169 = arith.select %lt3A_164, %broadcast_in_dim3A_167, %broadcast_in_dim3A_168 : vector<16xi1>, vector<16xi32>
      %add3A_170 = arith.addi %sub3A_161, %select_n3A_169 : vector<16xi32>
      %eq3A_171 = arith.constant 25 : i32
      %eq3A_172 = vector.broadcast %eq3A_171 : i32 to vector<16xi32>
      %eq3A_173 = arith.cmpi eq, %get3A_158, %eq3A_172 : vector<16xi32>
      %jit3A_174 = arith.constant 0 : i32
      %broadcast_in_dim3A_175 = vector.broadcast %jit3A_174 : i32 to vector<16xi32>
      %select_n3A_176 = arith.select %eq3A_173, %broadcast_in_dim3A_175, %add3A_170 : vector<16xi1>, vector<16xi32>
      %jit3A_177 = arith.constant 0 : i32
      %jit3A_178 = arith.constant 15999999 : i32
      %max3A_179 = vector.broadcast %jit3A_177 : i32 to vector<16xi32>
      %max3A_180 = arith.maxsi %max3A_179, %select_n3A_176 : vector<16xi32>
      %min3A_181 = vector.broadcast %jit3A_178 : i32 to vector<16xi32>
      %min3A_182 = arith.minsi %min3A_181, %max3A_180 : vector<16xi32>
      %swap3A_183 = arith.constant 32 : index
      %swap3A_184 = tpu.vector_load %arg10[%swap3A_183] {strides = array<i32>} : memref<128xi32, #tpu.memory_space<vmem>>, vector<16xi32>,
      tpu.vector_store %arg10[%swap3A_183], %min3A_182 {strides = array<i32>} : memref<128xi32, #tpu.memory_space<vmem>>, vector<16xi32>,
      %add3A_185 = arith.constant 48 : i32
      %add3A_186 = arith.addi %add3A_100, %add3A_185 : i32
      %get3A_187 = arith.index_cast %add3A_186 : i32 to index
      %get3A_188 = tpu.vector_load %arg8[%get3A_187] {strides = array<i32>} : memref<32128xi32, #tpu.memory_space<vmem>>, vector<16xi32>,
      %sub3A_189 = arith.constant 26 : i32
      %sub3A_190 = vector.broadcast %sub3A_189 : i32 to vector<16xi32>
      %sub3A_191 = arith.subi %get3A_188, %sub3A_190 : vector<16xi32>
      %lt3A_192 = arith.constant 26 : i32
      %lt3A_193 = vector.broadcast %lt3A_192 : i32 to vector<16xi32>
      %lt3A_194 = arith.cmpi slt, %get3A_188, %lt3A_193 : vector<16xi32>
      %jit3A_195 = arith.constant 16000000 : i32
      %jit3A_196 = arith.constant 0 : i32
      %broadcast_in_dim3A_197 = vector.broadcast %jit3A_195 : i32 to vector<16xi32>
      %broadcast_in_dim3A_198 = vector.broadcast %jit3A_196 : i32 to vector<16xi32>
      %select_n3A_199 = arith.select %lt3A_194, %broadcast_in_dim3A_197, %broadcast_in_dim3A_198 : vector<16xi1>, vector<16xi32>
      %add3A_200 = arith.addi %sub3A_191, %select_n3A_199 : vector<16xi32>
      %eq3A_201 = arith.constant 25 : i32
      %eq3A_202 = vector.broadcast %eq3A_201 : i32 to vector<16xi32>
      %eq3A_203 = arith.cmpi eq, %get3A_188, %eq3A_202 : vector<16xi32>
      %jit3A_204 = arith.constant 0 : i32
      %broadcast_in_dim3A_205 = vector.broadcast %jit3A_204 : i32 to vector<16xi32>
      %select_n3A_206 = arith.select %eq3A_203, %broadcast_in_dim3A_205, %add3A_200 : vector<16xi1>, vector<16xi32>
      %jit3A_207 = arith.constant 0 : i32
      %jit3A_208 = arith.constant 15999999 : i32
      %max3A_209 = vector.broadcast %jit3A_207 : i32 to vector<16xi32>
      %max3A_210 = arith.maxsi %max3A_209, %select_n3A_206 : vector<16xi32>
      %min3A_211 = vector.broadcast %jit3A_208 : i32 to vector<16xi32>
      %min3A_212 = arith.minsi %min3A_211, %max3A_210 : vector<16xi32>
      %swap3A_213 = arith.constant 48 : index
      %swap3A_214 = tpu.vector_load %arg10[%swap3A_213] {strides = array<i32>} : memref<128xi32, #tpu.memory_space<vmem>>, vector<16xi32>,
      tpu.vector_store %arg10[%swap3A_213], %min3A_212 {strides = array<i32>} : memref<128xi32, #tpu.memory_space<vmem>>, vector<16xi32>,
      %add3A_215 = arith.constant 64 : i32
      %add3A_216 = arith.addi %add3A_100, %add3A_215 : i32
      %get3A_217 = arith.index_cast %add3A_216 : i32 to index
      %get3A_218 = tpu.vector_load %arg8[%get3A_217] {strides = array<i32>} : memref<32128xi32, #tpu.memory_space<vmem>>, vector<16xi32>,
      %sub3A_219 = arith.constant 26 : i32
      %sub3A_220 = vector.broadcast %sub3A_219 : i32 to vector<16xi32>
      %sub3A_221 = arith.subi %get3A_218, %sub3A_220 : vector<16xi32>
      %lt3A_222 = arith.constant 26 : i32
      %lt3A_223 = vector.broadcast %lt3A_222 : i32 to vector<16xi32>
      %lt3A_224 = arith.cmpi slt, %get3A_218, %lt3A_223 : vector<16xi32>
      %jit3A_225 = arith.constant 16000000 : i32
      %jit3A_226 = arith.constant 0 : i32
      %broadcast_in_dim3A_227 = vector.broadcast %jit3A_225 : i32 to vector<16xi32>
      %broadcast_in_dim3A_228 = vector.broadcast %jit3A_226 : i32 to vector<16xi32>
      %select_n3A_229 = arith.select %lt3A_224, %broadcast_in_dim3A_227, %broadcast_in_dim3A_228 : vector<16xi1>, vector<16xi32>
      %add3A_230 = arith.addi %sub3A_221, %select_n3A_229 : vector<16xi32>
      %eq3A_231 = arith.constant 25 : i32
      %eq3A_232 = vector.broadcast %eq3A_231 : i32 to vector<16xi32>
      %eq3A_233 = arith.cmpi eq, %get3A_218, %eq3A_232 : vector<16xi32>
      %jit3A_234 = arith.constant 0 : i32
      %broadcast_in_dim3A_235 = vector.broadcast %jit3A_234 : i32 to vector<16xi32>
      %select_n3A_236 = arith.select %eq3A_233, %broadcast_in_dim3A_235, %add3A_230 : vector<16xi1>, vector<16xi32>
      %jit3A_237 = arith.constant 0 : i32
      %jit3A_238 = arith.constant 15999999 : i32
      %max3A_239 = vector.broadcast %jit3A_237 : i32 to vector<16xi32>
      %max3A_240 = arith.maxsi %max3A_239, %select_n3A_236 : vector<16xi32>
      %min3A_241 = vector.broadcast %jit3A_238 : i32 to vector<16xi32>
      %min3A_242 = arith.minsi %min3A_241, %max3A_240 : vector<16xi32>
      %swap3A_243 = arith.constant 64 : index
      %swap3A_244 = tpu.vector_load %arg10[%swap3A_243] {strides = array<i32>} : memref<128xi32, #tpu.memory_space<vmem>>, vector<16xi32>,
      tpu.vector_store %arg10[%swap3A_243], %min3A_242 {strides = array<i32>} : memref<128xi32, #tpu.memory_space<vmem>>, vector<16xi32>,
      %add3A_245 = arith.constant 80 : i32
      %add3A_246 = arith.addi %add3A_100, %add3A_245 : i32
      %get3A_247 = arith.index_cast %add3A_246 : i32 to index
      %get3A_248 = tpu.vector_load %arg8[%get3A_247] {strides = array<i32>} : memref<32128xi32, #tpu.memory_space<vmem>>, vector<16xi32>,
      %sub3A_249 = arith.constant 26 : i32
      %sub3A_250 = vector.broadcast %sub3A_249 : i32 to vector<16xi32>
      %sub3A_251 = arith.subi %get3A_248, %sub3A_250 : vector<16xi32>
      %lt3A_252 = arith.constant 26 : i32
      %lt3A_253 = vector.broadcast %lt3A_252 : i32 to vector<16xi32>
      %lt3A_254 = arith.cmpi slt, %get3A_248, %lt3A_253 : vector<16xi32>
      %jit3A_255 = arith.constant 16000000 : i32
      %jit3A_256 = arith.constant 0 : i32
      %broadcast_in_dim3A_257 = vector.broadcast %jit3A_255 : i32 to vector<16xi32>
      %broadcast_in_dim3A_258 = vector.broadcast %jit3A_256 : i32 to vector<16xi32>
      %select_n3A_259 = arith.select %lt3A_254, %broadcast_in_dim3A_257, %broadcast_in_dim3A_258 : vector<16xi1>, vector<16xi32>
      %add3A_260 = arith.addi %sub3A_251, %select_n3A_259 : vector<16xi32>
      %eq3A_261 = arith.constant 25 : i32
      %eq3A_262 = vector.broadcast %eq3A_261 : i32 to vector<16xi32>
      %eq3A_263 = arith.cmpi eq, %get3A_248, %eq3A_262 : vector<16xi32>
      %jit3A_264 = arith.constant 0 : i32
      %broadcast_in_dim3A_265 = vector.broadcast %jit3A_264 : i32 to vector<16xi32>
      %select_n3A_266 = arith.select %eq3A_263, %broadcast_in_dim3A_265, %add3A_260 : vector<16xi1>, vector<16xi32>
      %jit3A_267 = arith.constant 0 : i32
      %jit3A_268 = arith.constant 15999999 : i32
      %max3A_269 = vector.broadcast %jit3A_267 : i32 to vector<16xi32>
      %max3A_270 = arith.maxsi %max3A_269, %select_n3A_266 : vector<16xi32>
      %min3A_271 = vector.broadcast %jit3A_268 : i32 to vector<16xi32>
      %min3A_272 = arith.minsi %min3A_271, %max3A_270 : vector<16xi32>
      %swap3A_273 = arith.constant 80 : index
      %swap3A_274 = tpu.vector_load %arg10[%swap3A_273] {strides = array<i32>} : memref<128xi32, #tpu.memory_space<vmem>>, vector<16xi32>,
      tpu.vector_store %arg10[%swap3A_273], %min3A_272 {strides = array<i32>} : memref<128xi32, #tpu.memory_space<vmem>>, vector<16xi32>,
      %add3A_275 = arith.constant 96 : i32
      %add3A_276 = arith.addi %add3A_100, %add3A_275 : i32
      %get3A_277 = arith.index_cast %add3A_276 : i32 to index
      %get3A_278 = tpu.vector_load %arg8[%get3A_277] {strides = array<i32>} : memref<32128xi32, #tpu.memory_space<vmem>>, vector<16xi32>,
      %sub3A_279 = arith.constant 26 : i32
      %sub3A_280 = vector.broadcast %sub3A_279 : i32 to vector<16xi32>
      %sub3A_281 = arith.subi %get3A_278, %sub3A_280 : vector<16xi32>
      %lt3A_282 = arith.constant 26 : i32
      %lt3A_283 = vector.broadcast %lt3A_282 : i32 to vector<16xi32>
      %lt3A_284 = arith.cmpi slt, %get3A_278, %lt3A_283 : vector<16xi32>
      %jit3A_285 = arith.constant 16000000 : i32
      %jit3A_286 = arith.constant 0 : i32
      %broadcast_in_dim3A_287 = vector.broadcast %jit3A_285 : i32 to vector<16xi32>
      %broadcast_in_dim3A_288 = vector.broadcast %jit3A_286 : i32 to vector<16xi32>
      %select_n3A_289 = arith.select %lt3A_284, %broadcast_in_dim3A_287, %broadcast_in_dim3A_288 : vector<16xi1>, vector<16xi32>
      %add3A_290 = arith.addi %sub3A_281, %select_n3A_289 : vector<16xi32>
      %eq3A_291 = arith.constant 25 : i32
      %eq3A_292 = vector.broadcast %eq3A_291 : i32 to vector<16xi32>
      %eq3A_293 = arith.cmpi eq, %get3A_278, %eq3A_292 : vector<16xi32>
      %jit3A_294 = arith.constant 0 : i32
      %broadcast_in_dim3A_295 = vector.broadcast %jit3A_294 : i32 to vector<16xi32>
      %select_n3A_296 = arith.select %eq3A_293, %broadcast_in_dim3A_295, %add3A_290 : vector<16xi1>, vector<16xi32>
      %jit3A_297 = arith.constant 0 : i32
      %jit3A_298 = arith.constant 15999999 : i32
      %max3A_299 = vector.broadcast %jit3A_297 : i32 to vector<16xi32>
      %max3A_300 = arith.maxsi %max3A_299, %select_n3A_296 : vector<16xi32>
      %min3A_301 = vector.broadcast %jit3A_298 : i32 to vector<16xi32>
      %min3A_302 = arith.minsi %min3A_301, %max3A_300 : vector<16xi32>
      %swap3A_303 = arith.constant 96 : index
      %swap3A_304 = tpu.vector_load %arg10[%swap3A_303] {strides = array<i32>} : memref<128xi32, #tpu.memory_space<vmem>>, vector<16xi32>,
      tpu.vector_store %arg10[%swap3A_303], %min3A_302 {strides = array<i32>} : memref<128xi32, #tpu.memory_space<vmem>>, vector<16xi32>,
      %add3A_305 = arith.constant 112 : i32
      %add3A_306 = arith.addi %add3A_100, %add3A_305 : i32
      %get3A_307 = arith.index_cast %add3A_306 : i32 to index
      %get3A_308 = tpu.vector_load %arg8[%get3A_307] {strides = array<i32>} : memref<32128xi32, #tpu.memory_space<vmem>>, vector<16xi32>,
      %sub3A_309 = arith.constant 26 : i32
      %sub3A_310 = vector.broadcast %sub3A_309 : i32 to vector<16xi32>
      %sub3A_311 = arith.subi %get3A_308, %sub3A_310 : vector<16xi32>
      %lt3A_312 = arith.constant 26 : i32
      %lt3A_313 = vector.broadcast %lt3A_312 : i32 to vector<16xi32>
      %lt3A_314 = arith.cmpi slt, %get3A_308, %lt3A_313 : vector<16xi32>
      %jit3A_315 = arith.constant 16000000 : i32
      %jit3A_316 = arith.constant 0 : i32
      %broadcast_in_dim3A_317 = vector.broadcast %jit3A_315 : i32 to vector<16xi32>
      %broadcast_in_dim3A_318 = vector.broadcast %jit3A_316 : i32 to vector<16xi32>
      %select_n3A_319 = arith.select %lt3A_314, %broadcast_in_dim3A_317, %broadcast_in_dim3A_318 : vector<16xi1>, vector<16xi32>
      %add3A_320 = arith.addi %sub3A_311, %select_n3A_319 : vector<16xi32>
      %eq3A_321 = arith.constant 25 : i32
      %eq3A_322 = vector.broadcast %eq3A_321 : i32 to vector<16xi32>
      %eq3A_323 = arith.cmpi eq, %get3A_308, %eq3A_322 : vector<16xi32>
      %jit3A_324 = arith.constant 0 : i32
      %broadcast_in_dim3A_325 = vector.broadcast %jit3A_324 : i32 to vector<16xi32>
      %select_n3A_326 = arith.select %eq3A_323, %broadcast_in_dim3A_325, %add3A_320 : vector<16xi1>, vector<16xi32>
      %jit3A_327 = arith.constant 0 : i32
      %jit3A_328 = arith.constant 15999999 : i32
      %max3A_329 = vector.broadcast %jit3A_327 : i32 to vector<16xi32>
      %max3A_330 = arith.maxsi %max3A_329, %select_n3A_326 : vector<16xi32>
      %min3A_331 = vector.broadcast %jit3A_328 : i32 to vector<16xi32>
      %min3A_332 = arith.minsi %min3A_331, %max3A_330 : vector<16xi32>
      %swap3A_333 = arith.constant 112 : index
      %swap3A_334 = tpu.vector_load %arg10[%swap3A_333] {strides = array<i32>} : memref<128xi32, #tpu.memory_space<vmem>>, vector<16xi32>,
      tpu.vector_store %arg10[%swap3A_333], %min3A_332 {strides = array<i32>} : memref<128xi32, #tpu.memory_space<vmem>>, vector<16xi32>,
      %mul3A_335 = arith.constant 128 : i32
      %mul3A_336 = arith.muli %while3A_96, %mul3A_335 : i32
      %dma_start3A = tpu.memref_slice %arg9[%mul3A_336] : memref<32144xf32, #tpu.memory_space<vmem>> -> memref<128xf32, #tpu.memory_space<vmem>>
      %dma_start3A_337 = arith.constant 0 : i32
      %dma_start3A_338 = tpu.memref_slice %arg2[%dma_start3A_337] : memref<16000000xf32, #tpu.memory_space<hbm>> -> memref<16000000xf32, #tpu.memory_space<hbm>>
      tpu.enqueue_indirect_dma source(%dma_start3A_338 : memref<16000000xf32, #tpu.memory_space<hbm>>) target(%dma_start3A : memref<128xf32, #tpu.memory_space<vmem>>) offsets(%arg10 : memref<128xi32, #tpu.memory_space<vmem>>) semaphore(%arg15 : memref<!tpu.dma_semaphore, #tpu.memory_space<semaphore_mem>>)
      %dma_wait3A = tpu.memref_slice %arg9[%mul3A_336] : memref<32144xf32, #tpu.memory_space<vmem>> -> memref<128xf32, #tpu.memory_space<vmem>>
      %dma_wait3A_339 = arith.constant 0 : i32
      %dma_wait3A_340 = tpu.memref_slice %arg2[%dma_wait3A_339] : memref<16000000xf32, #tpu.memory_space<hbm>> -> memref<16000000xf32, #tpu.memory_space<hbm>>
      tpu.wait_indirect_dma semaphore(%arg15 : memref<!tpu.dma_semaphore, #tpu.memory_space<semaphore_mem>>) src(%dma_wait3A_340 : memref<16000000xf32, #tpu.memory_space<hbm>>) dst(%dma_wait3A : memref<128xf32, #tpu.memory_space<vmem>>)
      %while3A_341 = arith.constant 0 : i32
      scf.yield %while3A_341 : i32
    }
    %while3A_87 = arith.constant 1 : i32
    %while3A_88 = scf.for %while3A_96 = %while3A_84 to %while3A_80 step %while3A_87 iter_args(%while3A_97 = %while3A_86) -> (i32)  : i32 {
      %mul3A_98 = arith.constant 128 : i32
      %mul3A_99 = arith.muli %while3A_96, %mul3A_98 : i32
      %add3A_100 = arith.addi %mul3A_48, %mul3A_99 : i32
      %add3A_101 = arith.constant 0 : i32
      %add3A_102 = arith.addi %add3A_100, %add3A_101 : i32
      %get3A = arith.index_cast %add3A_102 : i32 to index
      %get3A_103 = tpu.vector_load %arg8[%get3A] {strides = array<i32>} : memref<32128xi32, #tpu.memory_space<vmem>>, vector<16xi32>,
      %sub3A_104 = arith.constant 26 : i32
      %sub3A_105 = vector.broadcast %sub3A_104 : i32 to vector<16xi32>
      %sub3A_106 = arith.subi %get3A_103, %sub3A_105 : vector<16xi32>
      %lt3A = arith.constant 26 : i32
      %lt3A_107 = vector.broadcast %lt3A : i32 to vector<16xi32>
      %lt3A_108 = arith.cmpi slt, %get3A_103, %lt3A_107 : vector<16xi32>
      %jit3A_109 = arith.constant 16000000 : i32
      %jit3A_110 = arith.constant 0 : i32
      %broadcast_in_dim3A = vector.broadcast %jit3A_109 : i32 to vector<16xi32>
      %broadcast_in_dim3A_111 = vector.broadcast %jit3A_110 : i32 to vector<16xi32>
      %select_n3A_112 = arith.select %lt3A_108, %broadcast_in_dim3A, %broadcast_in_dim3A_111 : vector<16xi1>, vector<16xi32>
      %add3A_113 = arith.addi %sub3A_106, %select_n3A_112 : vector<16xi32>
      %eq3A_114 = arith.constant 25 : i32
      %eq3A_115 = vector.broadcast %eq3A_114 : i32 to vector<16xi32>
      %eq3A_116 = arith.cmpi eq, %get3A_103, %eq3A_115 : vector<16xi32>
      %jit3A_117 = arith.constant 0 : i32
      %broadcast_in_dim3A_118 = vector.broadcast %jit3A_117 : i32 to vector<16xi32>
      %select_n3A_119 = arith.select %eq3A_116, %broadcast_in_dim3A_118, %add3A_113 : vector<16xi1>, vector<16xi32>
      %jit3A_120 = arith.constant 0 : i32
      %jit3A_121 = arith.constant 15999999 : i32
      %max3A = vector.broadcast %jit3A_120 : i32 to vector<16xi32>
      %max3A_122 = arith.maxsi %max3A, %select_n3A_119 : vector<16xi32>
      %min3A = vector.broadcast %jit3A_121 : i32 to vector<16xi32>
      %min3A_123 = arith.minsi %min3A, %max3A_122 : vector<16xi32>
      %swap3A = arith.constant 0 : index
      %swap3A_124 = tpu.vector_load %arg10[%swap3A] {strides = array<i32>} : memref<128xi32, #tpu.memory_space<vmem>>, vector<16xi32>,
      tpu.vector_store %arg10[%swap3A], %min3A_123 {strides = array<i32>} : memref<128xi32, #tpu.memory_space<vmem>>, vector<16xi32>,
      %add3A_125 = arith.constant 16 : i32
      %add3A_126 = arith.addi %add3A_100, %add3A_125 : i32
      %get3A_127 = arith.index_cast %add3A_126 : i32 to index
      %get3A_128 = tpu.vector_load %arg8[%get3A_127] {strides = array<i32>} : memref<32128xi32, #tpu.memory_space<vmem>>, vector<16xi32>,
      %sub3A_129 = arith.constant 26 : i32
      %sub3A_130 = vector.broadcast %sub3A_129 : i32 to vector<16xi32>
      %sub3A_131 = arith.subi %get3A_128, %sub3A_130 : vector<16xi32>
      %lt3A_132 = arith.constant 26 : i32
      %lt3A_133 = vector.broadcast %lt3A_132 : i32 to vector<16xi32>
      %lt3A_134 = arith.cmpi slt, %get3A_128, %lt3A_133 : vector<16xi32>
      %jit3A_135 = arith.constant 16000000 : i32
      %jit3A_136 = arith.constant 0 : i32
      %broadcast_in_dim3A_137 = vector.broadcast %jit3A_135 : i32 to vector<16xi32>
      %broadcast_in_dim3A_138 = vector.broadcast %jit3A_136 : i32 to vector<16xi32>
      %select_n3A_139 = arith.select %lt3A_134, %broadcast_in_dim3A_137, %broadcast_in_dim3A_138 : vector<16xi1>, vector<16xi32>
      %add3A_140 = arith.addi %sub3A_131, %select_n3A_139 : vector<16xi32>
      %eq3A_141 = arith.constant 25 : i32
      %eq3A_142 = vector.broadcast %eq3A_141 : i32 to vector<16xi32>
      %eq3A_143 = arith.cmpi eq, %get3A_128, %eq3A_142 : vector<16xi32>
      %jit3A_144 = arith.constant 0 : i32
      %broadcast_in_dim3A_145 = vector.broadcast %jit3A_144 : i32 to vector<16xi32>
      %select_n3A_146 = arith.select %eq3A_143, %broadcast_in_dim3A_145, %add3A_140 : vector<16xi1>, vector<16xi32>
      %jit3A_147 = arith.constant 0 : i32
      %jit3A_148 = arith.constant 15999999 : i32
      %max3A_149 = vector.broadcast %jit3A_147 : i32 to vector<16xi32>
      %max3A_150 = arith.maxsi %max3A_149, %select_n3A_146 : vector<16xi32>
      %min3A_151 = vector.broadcast %jit3A_148 : i32 to vector<16xi32>
      %min3A_152 = arith.minsi %min3A_151, %max3A_150 : vector<16xi32>
      %swap3A_153 = arith.constant 16 : index
      %swap3A_154 = tpu.vector_load %arg10[%swap3A_153] {strides = array<i32>} : memref<128xi32, #tpu.memory_space<vmem>>, vector<16xi32>,
      tpu.vector_store %arg10[%swap3A_153], %min3A_152 {strides = array<i32>} : memref<128xi32, #tpu.memory_space<vmem>>, vector<16xi32>,
      %add3A_155 = arith.constant 32 : i32
      %add3A_156 = arith.addi %add3A_100, %add3A_155 : i32
      %get3A_157 = arith.index_cast %add3A_156 : i32 to index
      %get3A_158 = tpu.vector_load %arg8[%get3A_157] {strides = array<i32>} : memref<32128xi32, #tpu.memory_space<vmem>>, vector<16xi32>,
      %sub3A_159 = arith.constant 26 : i32
      %sub3A_160 = vector.broadcast %sub3A_159 : i32 to vector<16xi32>
      %sub3A_161 = arith.subi %get3A_158, %sub3A_160 : vector<16xi32>
      %lt3A_162 = arith.constant 26 : i32
      %lt3A_163 = vector.broadcast %lt3A_162 : i32 to vector<16xi32>
      %lt3A_164 = arith.cmpi slt, %get3A_158, %lt3A_163 : vector<16xi32>
      %jit3A_165 = arith.constant 16000000 : i32
      %jit3A_166 = arith.constant 0 : i32
      %broadcast_in_dim3A_167 = vector.broadcast %jit3A_165 : i32 to vector<16xi32>
      %broadcast_in_dim3A_168 = vector.broadcast %jit3A_166 : i32 to vector<16xi32>
      %select_n3A_169 = arith.select %lt3A_164, %broadcast_in_dim3A_167, %broadcast_in_dim3A_168 : vector<16xi1>, vector<16xi32>
      %add3A_170 = arith.addi %sub3A_161, %select_n3A_169 : vector<16xi32>
      %eq3A_171 = arith.constant 25 : i32
      %eq3A_172 = vector.broadcast %eq3A_171 : i32 to vector<16xi32>
      %eq3A_173 = arith.cmpi eq, %get3A_158, %eq3A_172 : vector<16xi32>
      %jit3A_174 = arith.constant 0 : i32
      %broadcast_in_dim3A_175 = vector.broadcast %jit3A_174 : i32 to vector<16xi32>
      %select_n3A_176 = arith.select %eq3A_173, %broadcast_in_dim3A_175, %add3A_170 : vector<16xi1>, vector<16xi32>
      %jit3A_177 = arith.constant 0 : i32
      %jit3A_178 = arith.constant 15999999 : i32
      %max3A_179 = vector.broadcast %jit3A_177 : i32 to vector<16xi32>
      %max3A_180 = arith.maxsi %max3A_179, %select_n3A_176 : vector<16xi32>
      %min3A_181 = vector.broadcast %jit3A_178 : i32 to vector<16xi32>
      %min3A_182 = arith.minsi %min3A_181, %max3A_180 : vector<16xi32>
      %swap3A_183 = arith.constant 32 : index
      %swap3A_184 = tpu.vector_load %arg10[%swap3A_183] {strides = array<i32>} : memref<128xi32, #tpu.memory_space<vmem>>, vector<16xi32>,
      tpu.vector_store %arg10[%swap3A_183], %min3A_182 {strides = array<i32>} : memref<128xi32, #tpu.memory_space<vmem>>, vector<16xi32>,
      %add3A_185 = arith.constant 48 : i32
      %add3A_186 = arith.addi %add3A_100, %add3A_185 : i32
      %get3A_187 = arith.index_cast %add3A_186 : i32 to index
      %get3A_188 = tpu.vector_load %arg8[%get3A_187] {strides = array<i32>} : memref<32128xi32, #tpu.memory_space<vmem>>, vector<16xi32>,
      %sub3A_189 = arith.constant 26 : i32
      %sub3A_190 = vector.broadcast %sub3A_189 : i32 to vector<16xi32>
      %sub3A_191 = arith.subi %get3A_188, %sub3A_190 : vector<16xi32>
      %lt3A_192 = arith.constant 26 : i32
      %lt3A_193 = vector.broadcast %lt3A_192 : i32 to vector<16xi32>
      %lt3A_194 = arith.cmpi slt, %get3A_188, %lt3A_193 : vector<16xi32>
      %jit3A_195 = arith.constant 16000000 : i32
      %jit3A_196 = arith.constant 0 : i32
      %broadcast_in_dim3A_197 = vector.broadcast %jit3A_195 : i32 to vector<16xi32>
      %broadcast_in_dim3A_198 = vector.broadcast %jit3A_196 : i32 to vector<16xi32>
      %select_n3A_199 = arith.select %lt3A_194, %broadcast_in_dim3A_197, %broadcast_in_dim3A_198 : vector<16xi1>, vector<16xi32>
      %add3A_200 = arith.addi %sub3A_191, %select_n3A_199 : vector<16xi32>
      %eq3A_201 = arith.constant 25 : i32
      %eq3A_202 = vector.broadcast %eq3A_201 : i32 to vector<16xi32>
      %eq3A_203 = arith.cmpi eq, %get3A_188, %eq3A_202 : vector<16xi32>
      %jit3A_204 = arith.constant 0 : i32
      %broadcast_in_dim3A_205 = vector.broadcast %jit3A_204 : i32 to vector<16xi32>
      %select_n3A_206 = arith.select %eq3A_203, %broadcast_in_dim3A_205, %add3A_200 : vector<16xi1>, vector<16xi32>
      %jit3A_207 = arith.constant 0 : i32
      %jit3A_208 = arith.constant 15999999 : i32
      %max3A_209 = vector.broadcast %jit3A_207 : i32 to vector<16xi32>
      %max3A_210 = arith.maxsi %max3A_209, %select_n3A_206 : vector<16xi32>
      %min3A_211 = vector.broadcast %jit3A_208 : i32 to vector<16xi32>
      %min3A_212 = arith.minsi %min3A_211, %max3A_210 : vector<16xi32>
      %swap3A_213 = arith.constant 48 : index
      %swap3A_214 = tpu.vector_load %arg10[%swap3A_213] {strides = array<i32>} : memref<128xi32, #tpu.memory_space<vmem>>, vector<16xi32>,
      tpu.vector_store %arg10[%swap3A_213], %min3A_212 {strides = array<i32>} : memref<128xi32, #tpu.memory_space<vmem>>, vector<16xi32>,
      %add3A_215 = arith.constant 64 : i32
      %add3A_216 = arith.addi %add3A_100, %add3A_215 : i32
      %get3A_217 = arith.index_cast %add3A_216 : i32 to index
      %get3A_218 = tpu.vector_load %arg8[%get3A_217] {strides = array<i32>} : memref<32128xi32, #tpu.memory_space<vmem>>, vector<16xi32>,
      %sub3A_219 = arith.constant 26 : i32
      %sub3A_220 = vector.broadcast %sub3A_219 : i32 to vector<16xi32>
      %sub3A_221 = arith.subi %get3A_218, %sub3A_220 : vector<16xi32>
      %lt3A_222 = arith.constant 26 : i32
      %lt3A_223 = vector.broadcast %lt3A_222 : i32 to vector<16xi32>
      %lt3A_224 = arith.cmpi slt, %get3A_218, %lt3A_223 : vector<16xi32>
      %jit3A_225 = arith.constant 16000000 : i32
      %jit3A_226 = arith.constant 0 : i32
      %broadcast_in_dim3A_227 = vector.broadcast %jit3A_225 : i32 to vector<16xi32>
      %broadcast_in_dim3A_228 = vector.broadcast %jit3A_226 : i32 to vector<16xi32>
      %select_n3A_229 = arith.select %lt3A_224, %broadcast_in_dim3A_227, %broadcast_in_dim3A_228 : vector<16xi1>, vector<16xi32>
      %add3A_230 = arith.addi %sub3A_221, %select_n3A_229 : vector<16xi32>
      %eq3A_231 = arith.constant 25 : i32
      %eq3A_232 = vector.broadcast %eq3A_231 : i32 to vector<16xi32>
      %eq3A_233 = arith.cmpi eq, %get3A_218, %eq3A_232 : vector<16xi32>
      %jit3A_234 = arith.constant 0 : i32
      %broadcast_in_dim3A_235 = vector.broadcast %jit3A_234 : i32 to vector<16xi32>
      %select_n3A_236 = arith.select %eq3A_233, %broadcast_in_dim3A_235, %add3A_230 : vector<16xi1>, vector<16xi32>
      %jit3A_237 = arith.constant 0 : i32
      %jit3A_238 = arith.constant 15999999 : i32
      %max3A_239 = vector.broadcast %jit3A_237 : i32 to vector<16xi32>
      %max3A_240 = arith.maxsi %max3A_239, %select_n3A_236 : vector<16xi32>
      %min3A_241 = vector.broadcast %jit3A_238 : i32 to vector<16xi32>
      %min3A_242 = arith.minsi %min3A_241, %max3A_240 : vector<16xi32>
      %swap3A_243 = arith.constant 64 : index
      %swap3A_244 = tpu.vector_load %arg10[%swap3A_243] {strides = array<i32>} : memref<128xi32, #tpu.memory_space<vmem>>, vector<16xi32>,
      tpu.vector_store %arg10[%swap3A_243], %min3A_242 {strides = array<i32>} : memref<128xi32, #tpu.memory_space<vmem>>, vector<16xi32>,
      %add3A_245 = arith.constant 80 : i32
      %add3A_246 = arith.addi %add3A_100, %add3A_245 : i32
      %get3A_247 = arith.index_cast %add3A_246 : i32 to index
      %get3A_248 = tpu.vector_load %arg8[%get3A_247] {strides = array<i32>} : memref<32128xi32, #tpu.memory_space<vmem>>, vector<16xi32>,
      %sub3A_249 = arith.constant 26 : i32
      %sub3A_250 = vector.broadcast %sub3A_249 : i32 to vector<16xi32>
      %sub3A_251 = arith.subi %get3A_248, %sub3A_250 : vector<16xi32>
      %lt3A_252 = arith.constant 26 : i32
      %lt3A_253 = vector.broadcast %lt3A_252 : i32 to vector<16xi32>
      %lt3A_254 = arith.cmpi slt, %get3A_248, %lt3A_253 : vector<16xi32>
      %jit3A_255 = arith.constant 16000000 : i32
      %jit3A_256 = arith.constant 0 : i32
      %broadcast_in_dim3A_257 = vector.broadcast %jit3A_255 : i32 to vector<16xi32>
      %broadcast_in_dim3A_258 = vector.broadcast %jit3A_256 : i32 to vector<16xi32>
      %select_n3A_259 = arith.select %lt3A_254, %broadcast_in_dim3A_257, %broadcast_in_dim3A_258 : vector<16xi1>, vector<16xi32>
      %add3A_260 = arith.addi %sub3A_251, %select_n3A_259 : vector<16xi32>
      %eq3A_261 = arith.constant 25 : i32
      %eq3A_262 = vector.broadcast %eq3A_261 : i32 to vector<16xi32>
      %eq3A_263 = arith.cmpi eq, %get3A_248, %eq3A_262 : vector<16xi32>
      %jit3A_264 = arith.constant 0 : i32
      %broadcast_in_dim3A_265 = vector.broadcast %jit3A_264 : i32 to vector<16xi32>
      %select_n3A_266 = arith.select %eq3A_263, %broadcast_in_dim3A_265, %add3A_260 : vector<16xi1>, vector<16xi32>
      %jit3A_267 = arith.constant 0 : i32
      %jit3A_268 = arith.constant 15999999 : i32
      %max3A_269 = vector.broadcast %jit3A_267 : i32 to vector<16xi32>
      %max3A_270 = arith.maxsi %max3A_269, %select_n3A_266 : vector<16xi32>
      %min3A_271 = vector.broadcast %jit3A_268 : i32 to vector<16xi32>
      %min3A_272 = arith.minsi %min3A_271, %max3A_270 : vector<16xi32>
      %swap3A_273 = arith.constant 80 : index
      %swap3A_274 = tpu.vector_load %arg10[%swap3A_273] {strides = array<i32>} : memref<128xi32, #tpu.memory_space<vmem>>, vector<16xi32>,
      tpu.vector_store %arg10[%swap3A_273], %min3A_272 {strides = array<i32>} : memref<128xi32, #tpu.memory_space<vmem>>, vector<16xi32>,
      %add3A_275 = arith.constant 96 : i32
      %add3A_276 = arith.addi %add3A_100, %add3A_275 : i32
      %get3A_277 = arith.index_cast %add3A_276 : i32 to index
      %get3A_278 = tpu.vector_load %arg8[%get3A_277] {strides = array<i32>} : memref<32128xi32, #tpu.memory_space<vmem>>, vector<16xi32>,
      %sub3A_279 = arith.constant 26 : i32
      %sub3A_280 = vector.broadcast %sub3A_279 : i32 to vector<16xi32>
      %sub3A_281 = arith.subi %get3A_278, %sub3A_280 : vector<16xi32>
      %lt3A_282 = arith.constant 26 : i32
      %lt3A_283 = vector.broadcast %lt3A_282 : i32 to vector<16xi32>
      %lt3A_284 = arith.cmpi slt, %get3A_278, %lt3A_283 : vector<16xi32>
      %jit3A_285 = arith.constant 16000000 : i32
      %jit3A_286 = arith.constant 0 : i32
      %broadcast_in_dim3A_287 = vector.broadcast %jit3A_285 : i32 to vector<16xi32>
      %broadcast_in_dim3A_288 = vector.broadcast %jit3A_286 : i32 to vector<16xi32>
      %select_n3A_289 = arith.select %lt3A_284, %broadcast_in_dim3A_287, %broadcast_in_dim3A_288 : vector<16xi1>, vector<16xi32>
      %add3A_290 = arith.addi %sub3A_281, %select_n3A_289 : vector<16xi32>
      %eq3A_291 = arith.constant 25 : i32
      %eq3A_292 = vector.broadcast %eq3A_291 : i32 to vector<16xi32>
      %eq3A_293 = arith.cmpi eq, %get3A_278, %eq3A_292 : vector<16xi32>
      %jit3A_294 = arith.constant 0 : i32
      %broadcast_in_dim3A_295 = vector.broadcast %jit3A_294 : i32 to vector<16xi32>
      %select_n3A_296 = arith.select %eq3A_293, %broadcast_in_dim3A_295, %add3A_290 : vector<16xi1>, vector<16xi32>
      %jit3A_297 = arith.constant 0 : i32
      %jit3A_298 = arith.constant 15999999 : i32
      %max3A_299 = vector.broadcast %jit3A_297 : i32 to vector<16xi32>
      %max3A_300 = arith.maxsi %max3A_299, %select_n3A_296 : vector<16xi32>
      %min3A_301 = vector.broadcast %jit3A_298 : i32 to vector<16xi32>
      %min3A_302 = arith.minsi %min3A_301, %max3A_300 : vector<16xi32>
      %swap3A_303 = arith.constant 96 : index
      %swap3A_304 = tpu.vector_load %arg10[%swap3A_303] {strides = array<i32>} : memref<128xi32, #tpu.memory_space<vmem>>, vector<16xi32>,
      tpu.vector_store %arg10[%swap3A_303], %min3A_302 {strides = array<i32>} : memref<128xi32, #tpu.memory_space<vmem>>, vector<16xi32>,
      %add3A_305 = arith.constant 112 : i32
      %add3A_306 = arith.addi %add3A_100, %add3A_305 : i32
      %get3A_307 = arith.index_cast %add3A_306 : i32 to index
      %get3A_308 = tpu.vector_load %arg8[%get3A_307] {strides = array<i32>} : memref<32128xi32, #tpu.memory_space<vmem>>, vector<16xi32>,
      %sub3A_309 = arith.constant 26 : i32
      %sub3A_310 = vector.broadcast %sub3A_309 : i32 to vector<16xi32>
      %sub3A_311 = arith.subi %get3A_308, %sub3A_310 : vector<16xi32>
      %lt3A_312 = arith.constant 26 : i32
      %lt3A_313 = vector.broadcast %lt3A_312 : i32 to vector<16xi32>
      %lt3A_314 = arith.cmpi slt, %get3A_308, %lt3A_313 : vector<16xi32>
      %jit3A_315 = arith.constant 16000000 : i32
      %jit3A_316 = arith.constant 0 : i32
      %broadcast_in_dim3A_317 = vector.broadcast %jit3A_315 : i32 to vector<16xi32>
      %broadcast_in_dim3A_318 = vector.broadcast %jit3A_316 : i32 to vector<16xi32>
      %select_n3A_319 = arith.select %lt3A_314, %broadcast_in_dim3A_317, %broadcast_in_dim3A_318 : vector<16xi1>, vector<16xi32>
      %add3A_320 = arith.addi %sub3A_311, %select_n3A_319 : vector<16xi32>
      %eq3A_321 = arith.constant 25 : i32
      %eq3A_322 = vector.broadcast %eq3A_321 : i32 to vector<16xi32>
      %eq3A_323 = arith.cmpi eq, %get3A_308, %eq3A_322 : vector<16xi32>
      %jit3A_324 = arith.constant 0 : i32
      %broadcast_in_dim3A_325 = vector.broadcast %jit3A_324 : i32 to vector<16xi32>
      %select_n3A_326 = arith.select %eq3A_323, %broadcast_in_dim3A_325, %add3A_320 : vector<16xi1>, vector<16xi32>
      %jit3A_327 = arith.constant 0 : i32
      %jit3A_328 = arith.constant 15999999 : i32
      %max3A_329 = vector.broadcast %jit3A_327 : i32 to vector<16xi32>
      %max3A_330 = arith.maxsi %max3A_329, %select_n3A_326 : vector<16xi32>
      %min3A_331 = vector.broadcast %jit3A_328 : i32 to vector<16xi32>
      %min3A_332 = arith.minsi %min3A_331, %max3A_330 : vector<16xi32>
      %swap3A_333 = arith.constant 112 : index
      %swap3A_334 = tpu.vector_load %arg10[%swap3A_333] {strides = array<i32>} : memref<128xi32, #tpu.memory_space<vmem>>, vector<16xi32>,
      tpu.vector_store %arg10[%swap3A_333], %min3A_332 {strides = array<i32>} : memref<128xi32, #tpu.memory_space<vmem>>, vector<16xi32>,
      %mul3A_335 = arith.constant 128 : i32
      %mul3A_336 = arith.muli %while3A_96, %mul3A_335 : i32
      %dma_start3A = tpu.memref_slice %arg9[%mul3A_336] : memref<32144xf32, #tpu.memory_space<vmem>> -> memref<128xf32, #tpu.memory_space<vmem>>
      %dma_start3A_337 = arith.constant 0 : i32
      %dma_start3A_338 = tpu.memref_slice %arg2[%dma_start3A_337] : memref<16000000xf32, #tpu.memory_space<hbm>> -> memref<16000000xf32, #tpu.memory_space<hbm>>
      tpu.enqueue_indirect_dma source(%dma_start3A_338 : memref<16000000xf32, #tpu.memory_space<hbm>>) target(%dma_start3A : memref<128xf32, #tpu.memory_space<vmem>>) offsets(%arg10 : memref<128xi32, #tpu.memory_space<vmem>>) semaphore(%arg15 : memref<!tpu.dma_semaphore, #tpu.memory_space<semaphore_mem>>)
      %dma_wait3A = tpu.memref_slice %arg9[%mul3A_336] : memref<32144xf32, #tpu.memory_space<vmem>> -> memref<128xf32, #tpu.memory_space<vmem>>
      %dma_wait3A_339 = arith.constant 0 : i32
      %dma_wait3A_340 = tpu.memref_slice %arg2[%dma_wait3A_339] : memref<16000000xf32, #tpu.memory_space<hbm>> -> memref<16000000xf32, #tpu.memory_space<hbm>>
      tpu.wait_indirect_dma semaphore(%arg15 : memref<!tpu.dma_semaphore, #tpu.memory_space<semaphore_mem>>) src(%dma_wait3A_340 : memref<16000000xf32, #tpu.memory_space<hbm>>) dst(%dma_wait3A : memref<128xf32, #tpu.memory_space<vmem>>)
      %while3A_341 = arith.constant 0 : i32
      scf.yield %while3A_341 : i32
    }
    %iota3A = tpu.iota {dimensions = array<i32: 0>} : vector<16xi32>
    %scan3A_89 = arith.constant 0 : i32
    %scan3A_90 = arith.constant 0 : i32
    %scan3A_91 = arith.constant 50 : i32
    %scan3A_92 = arith.addi %scan3A_90, %scan3A_91 : i32
    %scan3A_93 = arith.constant 1 : i32
    %scan3A_94 = scf.for %scan3A_96 = %scan3A_90 to %scan3A_92 step %scan3A_93 iter_args(%scan3A_97 = %scan3A_89) -> (i32)  : i32 {
      %mul3A_98 = arith.constant 10000 : i32
      %mul3A_99 = arith.muli %scan3A_96, %mul3A_98 : i32
      %add3A_100 = arith.addi %mul3A_2, %mul3A_99 : i32
      %add3A_101 = arith.constant 10000 : i32
      %add3A_102 = arith.addi %add3A_100, %add3A_101 : i32
      "tpu.region"() ({
        %run_scoped3A = tpu.sem_alloc : memref<!tpu.dma_semaphore, #tpu.memory_space<semaphore_mem>>
        %dma_start3A = tpu.memref_slice %arg2[%add3A_100] : memref<16000000xf32, #tpu.memory_space<hbm>> -> memref<10000xf32, #tpu.memory_space<hbm>>
        %dma_start3A_177 = tpu.memref_slice %arg2[%add3A_100] : memref<16000000xf32, #tpu.memory_space<hbm>> -> memref<10000xf32, #tpu.memory_space<hbm>>
        tpu.enqueue_dma source(%dma_start3A_177 : memref<10000xf32, #tpu.memory_space<hbm>>) target(%arg11 : memref<10000xf32, #tpu.memory_space<vmem>>) target_semaphore(%run_scoped3A : memref<!tpu.dma_semaphore, #tpu.memory_space<semaphore_mem>>)
        %dma_wait3A = tpu.memref_slice %arg2[%add3A_100] : memref<16000000xf32, #tpu.memory_space<hbm>> -> memref<10000xf32, #tpu.memory_space<hbm>>
        %dma_wait3A_178 = tpu.memref_slice %arg2[%add3A_100] : memref<16000000xf32, #tpu.memory_space<hbm>> -> memref<10000xf32, #tpu.memory_space<hbm>>
        tpu.wait_dma2 semaphore(%run_scoped3A : memref<!tpu.dma_semaphore, #tpu.memory_space<semaphore_mem>>) src(%dma_wait3A_178 : memref<10000xf32, #tpu.memory_space<hbm>>) dst(%arg11 : memref<10000xf32, #tpu.memory_space<vmem>>)
        tpu.yield
      }) : () -> ()
      %mul3A_103 = arith.constant 50 : i32
      %mul3A_104 = arith.muli %add3A, %mul3A_103 : i32
      %add3A_105 = arith.addi %mul3A_104, %scan3A_96 : i32
      %get3A = arith.index_cast %add3A_105 : i32 to index
      %get3A_106 = tpu.vector_load %arg14[%get3A] {strides = array<i32>} : memref<1617xi32, #tpu.memory_space<vmem>>, vector<16xi32>,
      %slice3A = vector.extract_strided_slice %get3A_106 {offsets = [0], sizes = [1], strides = [1]} : vector<16xi32> to vector<1xi32>
      %squeeze3A = vector.extract %slice3A[0] : i32 from vector<1xi32>
      %sub3A_107 = arith.constant 64 : i32
      %sub3A_108 = arith.subi %squeeze3A, %sub3A_107 : i32
      %max3A = arith.constant 0 : i32
      %max3A_109 = arith.maxsi %sub3A_108, %max3A : i32
      %add3A_110 = arith.constant 1 : i32
      %add3A_111 = arith.addi %add3A_105, %add3A_110 : i32
      %get3A_112 = arith.index_cast %add3A_111 : i32 to index
      %get3A_113 = tpu.vector_load %arg14[%get3A_112] {strides = array<i32>} : memref<1617xi32, #tpu.memory_space<vmem>>, vector<16xi32>,
      %slice3A_114 = vector.extract_strided_slice %get3A_113 {offsets = [0], sizes = [1], strides = [1]} : vector<16xi32> to vector<1xi32>
      %squeeze3A_115 = vector.extract %slice3A_114[0] : i32 from vector<1xi32>
      %add3A_116 = arith.constant 64 : i32
      %add3A_117 = arith.addi %squeeze3A_115, %add3A_116 : i32
      %min3A = arith.constant 6112000 : i32
      %min3A_118 = arith.minsi %add3A_117, %min3A : i32
      %jit3A_119 = arith.constant 8 : i32
      %eq3A_120 = arith.constant 0 : i32
      %eq3A_121 = arith.cmpi eq, %jit3A_119, %eq3A_120 : i32
      %jit3A_122 = arith.constant 1 : i32
      %select_n3A_123 = arith.select %eq3A_121, %jit3A_122, %jit3A_119 : i32
      %rem3A_124 = arith.remsi %max3A_109, %select_n3A_123 : i32
      %ne3A_125 = arith.constant 0 : i32
      %ne3A_126 = arith.cmpi ne, %rem3A_124, %ne3A_125 : i32
      %lt3A = arith.constant 0 : i32
      %lt3A_127 = arith.cmpi slt, %rem3A_124, %lt3A : i32
      %lt3A_128 = arith.constant 0 : i32
      %lt3A_129 = arith.cmpi slt, %select_n3A_123, %lt3A_128 : i32
      %ne3A_130 = arith.xori %lt3A_127, %lt3A_129 : i1
      %and3A_131 = arith.andi %ne3A_130, %ne3A_126 : i1
      %add3A_132 = arith.addi %rem3A_124, %select_n3A_123 : i32
      %select_n3A_133 = arith.select %and3A_131, %add3A_132, %rem3A_124 : i32
      %sub3A_134 = arith.subi %max3A_109, %select_n3A_133 : i32
      %sub3A_135 = arith.subi %min3A_118, %sub3A_134 : i32
      %add3A_136 = arith.constant 2048 : i32
      %add3A_137 = arith.addi %sub3A_135, %add3A_136 : i32
      %sub3A_138 = arith.constant 1 : i32
      %sub3A_139 = arith.subi %add3A_137, %sub3A_138 : i32
      %jit3A_140 = arith.constant 2048 : i32
      %div3A_141 = arith.divsi %sub3A_139, %jit3A_140 : i32
      %sign3A_142 = arith.constant 0 : i32
      %sign3A_143 = arith.cmpi sgt, %sub3A_139, %sign3A_142 : i32
      %sign3A_144 = arith.extui %sign3A_143 : i1 to i32
      %sign3A_145 = arith.constant 0 : i32
      %sign3A_146 = arith.cmpi slt, %sub3A_139, %sign3A_145 : i32
      %sign3A_147 = arith.extui %sign3A_146 : i1 to i32
      %sign3A_148 = arith.subi %sign3A_144, %sign3A_147 : i32
      %sign3A_149 = arith.constant 0 : i32
      %sign3A_150 = arith.cmpi sgt, %jit3A_140, %sign3A_149 : i32
      %sign3A_151 = arith.extui %sign3A_150 : i1 to i32
      %sign3A_152 = arith.constant 0 : i32
      %sign3A_153 = arith.cmpi slt, %jit3A_140, %sign3A_152 : i32
      %sign3A_154 = arith.extui %sign3A_153 : i1 to i32
      %sign3A_155 = arith.subi %sign3A_151, %sign3A_154 : i32
      %ne3A_156 = arith.cmpi ne, %sign3A_148, %sign3A_155 : i32
      %rem3A_157 = arith.remsi %sub3A_139, %jit3A_140 : i32
      %ne3A_158 = arith.constant 0 : i32
      %ne3A_159 = arith.cmpi ne, %rem3A_157, %ne3A_158 : i32
      %and3A_160 = arith.andi %ne3A_156, %ne3A_159 : i1
      %sub3A_161 = arith.constant 1 : i32
      %sub3A_162 = arith.subi %div3A_141, %sub3A_161 : i32
      %select_n3A_163 = arith.select %and3A_160, %sub3A_162, %div3A_141 : i32
      %while3A_164 = arith.constant 0 : i32
      %while3A_165 = arith.constant 0 : i32
      %while3A_166 = arith.subi %select_n3A_163, %while3A_164 : i32
      %while3A_167 = arith.addi %while3A_164, %while3A_166 : i32
      %while3A_168 = arith.constant 1 : i32
      %while3A_169 = arith.divsi %while3A_166, %while3A_168 : i32
      %while3A_170 = arith.muli %while3A_169, %while3A_168 : i32
      %while3A_171 = arith.addi %while3A_164, %while3A_170 : i32
      %while3A_172 = arith.constant 1 : i32
      %while3A_173 = scf.for %while3A_177 = %while3A_164 to %while3A_171 step %while3A_172 iter_args(%while3A_178 = %while3A_165) -> (i32)  : i32 {
        %mul3A_179 = arith.constant 2048 : i32
        %mul3A_180 = arith.muli %while3A_177, %mul3A_179 : i32
        %add3A_181 = arith.addi %sub3A_134, %mul3A_180 : i32
        %min3A_182 = arith.constant 6109952 : i32
        %min3A_183 = arith.minsi %add3A_181, %min3A_182 : i32
        %multiple_of3A = tpu.assume_multiple %min3A_183, 8 : i32
        %dma_start3A = tpu.memref_slice %arg4[%multiple_of3A] : memref<6112016xi32, #tpu.memory_space<hbm>> -> memref<2064xi32, #tpu.memory_space<hbm>>
        %dma_start3A_184 = tpu.memref_slice %arg4[%multiple_of3A] : memref<6112016xi32, #tpu.memory_space<hbm>> -> memref<2064xi32, #tpu.memory_space<hbm>>
        tpu.enqueue_dma source(%dma_start3A_184 : memref<2064xi32, #tpu.memory_space<hbm>>) target(%arg12 : memref<2064xi32, #tpu.memory_space<vmem>>) target_semaphore(%arg15 : memref<!tpu.dma_semaphore, #tpu.memory_space<semaphore_mem>>)
        %dma_start3A_185 = tpu.memref_slice %arg5[%multiple_of3A] : memref<6112016xi32, #tpu.memory_space<hbm>> -> memref<2064xi32, #tpu.memory_space<hbm>>
        %dma_start3A_186 = tpu.memref_slice %arg5[%multiple_of3A] : memref<6112016xi32, #tpu.memory_space<hbm>> -> memref<2064xi32, #tpu.memory_space<hbm>>
        tpu.enqueue_dma source(%dma_start3A_186 : memref<2064xi32, #tpu.memory_space<hbm>>) target(%arg13 : memref<2064xi32, #tpu.memory_space<vmem>>) target_semaphore(%arg15 : memref<!tpu.dma_semaphore, #tpu.memory_space<semaphore_mem>>)
        %dma_wait3A = tpu.memref_slice %arg4[%multiple_of3A] : memref<6112016xi32, #tpu.memory_space<hbm>> -> memref<2064xi32, #tpu.memory_space<hbm>>
        %dma_wait3A_187 = tpu.memref_slice %arg4[%multiple_of3A] : memref<6112016xi32, #tpu.memory_space<hbm>> -> memref<2064xi32, #tpu.memory_space<hbm>>
        tpu.wait_dma2 semaphore(%arg15 : memref<!tpu.dma_semaphore, #tpu.memory_space<semaphore_mem>>) src(%dma_wait3A_187 : memref<2064xi32, #tpu.memory_space<hbm>>) dst(%arg12 : memref<2064xi32, #tpu.memory_space<vmem>>)
        %dma_wait3A_188 = tpu.memref_slice %arg5[%multiple_of3A] : memref<6112016xi32, #tpu.memory_space<hbm>> -> memref<2064xi32, #tpu.memory_space<hbm>>
        %dma_wait3A_189 = tpu.memref_slice %arg5[%multiple_of3A] : memref<6112016xi32, #tpu.memory_space<hbm>> -> memref<2064xi32, #tpu.memory_space<hbm>>
        tpu.wait_dma2 semaphore(%arg15 : memref<!tpu.dma_semaphore, #tpu.memory_space<semaphore_mem>>) src(%dma_wait3A_189 : memref<2064xi32, #tpu.memory_space<hbm>>) dst(%arg13 : memref<2064xi32, #tpu.memory_space<vmem>>)
        %sub3A_190 = arith.subi %min3A_118, %multiple_of3A : i32
        %add3A_191 = arith.constant 15 : i32
        %add3A_192 = arith.addi %sub3A_190, %add3A_191 : i32
        %jit3A_193 = arith.constant 16 : i32
        %div3A_194 = arith.divsi %add3A_192, %jit3A_193 : i32
        %sign3A_195 = arith.constant 0 : i32
        %sign3A_196 = arith.cmpi sgt, %add3A_192, %sign3A_195 : i32
        %sign3A_197 = arith.extui %sign3A_196 : i1 to i32
        %sign3A_198 = arith.constant 0 : i32
        %sign3A_199 = arith.cmpi slt, %add3A_192, %sign3A_198 : i32
        %sign3A_200 = arith.extui %sign3A_199 : i1 to i32
        %sign3A_201 = arith.subi %sign3A_197, %sign3A_200 : i32
        %sign3A_202 = arith.constant 0 : i32
        %sign3A_203 = arith.cmpi sgt, %jit3A_193, %sign3A_202 : i32
        %sign3A_204 = arith.extui %sign3A_203 : i1 to i32
        %sign3A_205 = arith.constant 0 : i32
        %sign3A_206 = arith.cmpi slt, %jit3A_193, %sign3A_205 : i32
        %sign3A_207 = arith.extui %sign3A_206 : i1 to i32
        %sign3A_208 = arith.subi %sign3A_204, %sign3A_207 : i32
        %ne3A_209 = arith.cmpi ne, %sign3A_201, %sign3A_208 : i32
        %rem3A_210 = arith.remsi %add3A_192, %jit3A_193 : i32
        %ne3A_211 = arith.constant 0 : i32
        %ne3A_212 = arith.cmpi ne, %rem3A_210, %ne3A_211 : i32
        %and3A_213 = arith.andi %ne3A_209, %ne3A_212 : i1
        %sub3A_214 = arith.constant 1 : i32
        %sub3A_215 = arith.subi %div3A_194, %sub3A_214 : i32
        %select_n3A_216 = arith.select %and3A_213, %sub3A_215, %div3A_194 : i32
        %jit3A_217 = arith.constant 0 : i32
        %jit3A_218 = arith.constant 128 : i32
        %max3A_219 = arith.maxsi %jit3A_217, %select_n3A_216 : i32
        %min3A_220 = arith.minsi %jit3A_218, %max3A_219 : i32
        %while3A_221 = arith.constant 0 : i32
        %while3A_222 = arith.constant 0 : i32
        %while3A_223 = arith.subi %min3A_220, %while3A_221 : i32
        %while3A_224 = arith.addi %while3A_221, %while3A_223 : i32
        %while3A_225 = arith.constant 1 : i32
        %while3A_226 = arith.divsi %while3A_223, %while3A_225 : i32
        %while3A_227 = arith.muli %while3A_226, %while3A_225 : i32
        %while3A_228 = arith.addi %while3A_221, %while3A_227 : i32
        %while3A_229 = arith.constant 1 : i32
        %while3A_230 = scf.for %while3A_234 = %while3A_221 to %while3A_228 step %while3A_229 iter_args(%while3A_235 = %while3A_222) -> (i32)  : i32 {
          %mul3A_236 = arith.constant 16 : i32
          %mul3A_237 = arith.muli %while3A_234, %mul3A_236 : i32
          %get3A_238 = arith.index_cast %mul3A_237 : i32 to index
          %get3A_239 = tpu.vector_load %arg12[%get3A_238] {strides = array<i32>} : memref<2064xi32, #tpu.memory_space<vmem>>, vector<16xi32>,
          %mul3A_240 = arith.constant 16 : i32
          %mul3A_241 = arith.muli %while3A_234, %mul3A_240 : i32
          %add3A_242 = arith.constant 1 : i32
          %add3A_243 = arith.addi %mul3A_241, %add3A_242 : i32
          %get3A_244 = arith.index_cast %add3A_243 : i32 to index
          %get3A_245 = tpu.vector_load %arg12[%get3A_244] {strides = array<i32>} : memref<2064xi32, #tpu.memory_space<vmem>>, vector<16xi32>,
          %mul3A_246 = arith.constant 16 : i32
          %mul3A_247 = arith.muli %while3A_234, %mul3A_246 : i32
          %get3A_248 = arith.index_cast %mul3A_247 : i32 to index
          %get3A_249 = tpu.vector_load %arg13[%get3A_248] {strides = array<i32>} : memref<2064xi32, #tpu.memory_space<vmem>>, vector<16xi32>,
          %and3A_250 = arith.constant 8388607 : i32
          %and3A_251 = vector.broadcast %and3A_250 : i32 to vector<16xi32>
          %and3A_252 = arith.andi %get3A_249, %and3A_251 : vector<16xi32>
          %shift_right_logical3A = arith.constant 8 : i32
          %shift_right_logical3A_253 = vector.broadcast %shift_right_logical3A : i32 to vector<16xi32>
          %shift_right_logical3A_254 = arith.shrui %and3A_252, %shift_right_logical3A_253 : vector<16xi32>
          %ne3A_255 = arith.cmpi ne, %get3A_239, %get3A_245 : vector<16xi32>
          %lt3A_256 = arith.constant 1073741824 : i32
          %lt3A_257 = vector.broadcast %lt3A_256 : i32 to vector<16xi32>
          %lt3A_258 = arith.cmpi slt, %get3A_249, %lt3A_257 : vector<16xi32>
          %and3A_259 = arith.andi %ne3A_255, %lt3A_258 : vector<16xi1>
          %ge3A = vector.broadcast %add3A_100 : i32 to vector<16xi32>
          %ge3A_260 = arith.cmpi sge, %get3A_239, %ge3A : vector<16xi32>
          %and3A_261 = arith.andi %and3A_259, %ge3A_260 : vector<16xi1>
          %lt3A_262 = vector.broadcast %add3A_102 : i32 to vector<16xi32>
          %lt3A_263 = arith.cmpi slt, %get3A_239, %lt3A_262 : vector<16xi32>
          %and3A_264 = arith.andi %and3A_261, %lt3A_263 : vector<16xi1>
          %sub3A_265 = vector.broadcast %mul3A_48 : i32 to vector<16xi32>
          %sub3A_266 = arith.subi %shift_right_logical3A_254, %sub3A_265 : vector<16xi32>
          %jit3A_267 = arith.constant 0 : i32
          %jit3A_268 = arith.constant 32127 : i32
          %max3A_269 = vector.broadcast %jit3A_267 : i32 to vector<16xi32>
          %max3A_270 = arith.maxsi %max3A_269, %sub3A_266 : vector<16xi32>
          %min3A_271 = vector.broadcast %jit3A_268 : i32 to vector<16xi32>
          %min3A_272 = arith.minsi %min3A_271, %max3A_270 : vector<16xi32>
          %gather3A = tpu.vector_load_idx %arg9[%min3A_272] : memref<32144xf32, #tpu.memory_space<vmem>>[vector<16xi32>], vector<16xf32>,
          %sub3A_273 = vector.broadcast %add3A_100 : i32 to vector<16xi32>
          %sub3A_274 = arith.subi %get3A_239, %sub3A_273 : vector<16xi32>
          %select_n3A_275 = arith.select %and3A_264, %sub3A_274, %iota3A : vector<16xi1>, vector<16xi32>
          tpu.vector_store_idx %arg11[%select_n3A_275], %gather3A masked %and3A_264 : memref<10000xf32, #tpu.memory_space<vmem>>[vector<16xi32>], vector<16xf32>, vector<16xi1>
          %while3A_276 = arith.constant 0 : i32
          scf.yield %while3A_276 : i32
        }
        %while3A_231 = arith.constant 1 : i32
        %while3A_232 = scf.for %while3A_234 = %while3A_228 to %while3A_224 step %while3A_231 iter_args(%while3A_235 = %while3A_230) -> (i32)  : i32 {
          %mul3A_236 = arith.constant 16 : i32
          %mul3A_237 = arith.muli %while3A_234, %mul3A_236 : i32
          %get3A_238 = arith.index_cast %mul3A_237 : i32 to index
          %get3A_239 = tpu.vector_load %arg12[%get3A_238] {strides = array<i32>} : memref<2064xi32, #tpu.memory_space<vmem>>, vector<16xi32>,
          %mul3A_240 = arith.constant 16 : i32
          %mul3A_241 = arith.muli %while3A_234, %mul3A_240 : i32
          %add3A_242 = arith.constant 1 : i32
          %add3A_243 = arith.addi %mul3A_241, %add3A_242 : i32
          %get3A_244 = arith.index_cast %add3A_243 : i32 to index
          %get3A_245 = tpu.vector_load %arg12[%get3A_244] {strides = array<i32>} : memref<2064xi32, #tpu.memory_space<vmem>>, vector<16xi32>,
          %mul3A_246 = arith.constant 16 : i32
          %mul3A_247 = arith.muli %while3A_234, %mul3A_246 : i32
          %get3A_248 = arith.index_cast %mul3A_247 : i32 to index
          %get3A_249 = tpu.vector_load %arg13[%get3A_248] {strides = array<i32>} : memref<2064xi32, #tpu.memory_space<vmem>>, vector<16xi32>,
          %and3A_250 = arith.constant 8388607 : i32
          %and3A_251 = vector.broadcast %and3A_250 : i32 to vector<16xi32>
          %and3A_252 = arith.andi %get3A_249, %and3A_251 : vector<16xi32>
          %shift_right_logical3A = arith.constant 8 : i32
          %shift_right_logical3A_253 = vector.broadcast %shift_right_logical3A : i32 to vector<16xi32>
          %shift_right_logical3A_254 = arith.shrui %and3A_252, %shift_right_logical3A_253 : vector<16xi32>
          %ne3A_255 = arith.cmpi ne, %get3A_239, %get3A_245 : vector<16xi32>
          %lt3A_256 = arith.constant 1073741824 : i32
          %lt3A_257 = vector.broadcast %lt3A_256 : i32 to vector<16xi32>
          %lt3A_258 = arith.cmpi slt, %get3A_249, %lt3A_257 : vector<16xi32>
          %and3A_259 = arith.andi %ne3A_255, %lt3A_258 : vector<16xi1>
          %ge3A = vector.broadcast %add3A_100 : i32 to vector<16xi32>
          %ge3A_260 = arith.cmpi sge, %get3A_239, %ge3A : vector<16xi32>
          %and3A_261 = arith.andi %and3A_259, %ge3A_260 : vector<16xi1>
          %lt3A_262 = vector.broadcast %add3A_102 : i32 to vector<16xi32>
          %lt3A_263 = arith.cmpi slt, %get3A_239, %lt3A_262 : vector<16xi32>
          %and3A_264 = arith.andi %and3A_261, %lt3A_263 : vector<16xi1>
          %sub3A_265 = vector.broadcast %mul3A_48 : i32 to vector<16xi32>
          %sub3A_266 = arith.subi %shift_right_logical3A_254, %sub3A_265 : vector<16xi32>
          %jit3A_267 = arith.constant 0 : i32
          %jit3A_268 = arith.constant 32127 : i32
          %max3A_269 = vector.broadcast %jit3A_267 : i32 to vector<16xi32>
          %max3A_270 = arith.maxsi %max3A_269, %sub3A_266 : vector<16xi32>
          %min3A_271 = vector.broadcast %jit3A_268 : i32 to vector<16xi32>
          %min3A_272 = arith.minsi %min3A_271, %max3A_270 : vector<16xi32>
          %gather3A = tpu.vector_load_idx %arg9[%min3A_272] : memref<32144xf32, #tpu.memory_space<vmem>>[vector<16xi32>], vector<16xf32>,
          %sub3A_273 = vector.broadcast %add3A_100 : i32 to vector<16xi32>
          %sub3A_274 = arith.subi %get3A_239, %sub3A_273 : vector<16xi32>
          %select_n3A_275 = arith.select %and3A_264, %sub3A_274, %iota3A : vector<16xi1>, vector<16xi32>
          tpu.vector_store_idx %arg11[%select_n3A_275], %gather3A masked %and3A_264 : memref<10000xf32, #tpu.memory_space<vmem>>[vector<16xi32>], vector<16xf32>, vector<16xi1>
          %while3A_276 = arith.constant 0 : i32
          scf.yield %while3A_276 : i32
        }
        %while3A_233 = arith.constant 0 : i32
        scf.yield %while3A_233 : i32
      }
      %while3A_174 = arith.constant 1 : i32
      %while3A_175 = scf.for %while3A_177 = %while3A_171 to %while3A_167 step %while3A_174 iter_args(%while3A_178 = %while3A_173) -> (i32)  : i32 {
        %mul3A_179 = arith.constant 2048 : i32
        %mul3A_180 = arith.muli %while3A_177, %mul3A_179 : i32
        %add3A_181 = arith.addi %sub3A_134, %mul3A_180 : i32
        %min3A_182 = arith.constant 6109952 : i32
        %min3A_183 = arith.minsi %add3A_181, %min3A_182 : i32
        %multiple_of3A = tpu.assume_multiple %min3A_183, 8 : i32
        %dma_start3A = tpu.memref_slice %arg4[%multiple_of3A] : memref<6112016xi32, #tpu.memory_space<hbm>> -> memref<2064xi32, #tpu.memory_space<hbm>>
        %dma_start3A_184 = tpu.memref_slice %arg4[%multiple_of3A] : memref<6112016xi32, #tpu.memory_space<hbm>> -> memref<2064xi32, #tpu.memory_space<hbm>>
        tpu.enqueue_dma source(%dma_start3A_184 : memref<2064xi32, #tpu.memory_space<hbm>>) target(%arg12 : memref<2064xi32, #tpu.memory_space<vmem>>) target_semaphore(%arg15 : memref<!tpu.dma_semaphore, #tpu.memory_space<semaphore_mem>>)
        %dma_start3A_185 = tpu.memref_slice %arg5[%multiple_of3A] : memref<6112016xi32, #tpu.memory_space<hbm>> -> memref<2064xi32, #tpu.memory_space<hbm>>
        %dma_start3A_186 = tpu.memref_slice %arg5[%multiple_of3A] : memref<6112016xi32, #tpu.memory_space<hbm>> -> memref<2064xi32, #tpu.memory_space<hbm>>
        tpu.enqueue_dma source(%dma_start3A_186 : memref<2064xi32, #tpu.memory_space<hbm>>) target(%arg13 : memref<2064xi32, #tpu.memory_space<vmem>>) target_semaphore(%arg15 : memref<!tpu.dma_semaphore, #tpu.memory_space<semaphore_mem>>)
        %dma_wait3A = tpu.memref_slice %arg4[%multiple_of3A] : memref<6112016xi32, #tpu.memory_space<hbm>> -> memref<2064xi32, #tpu.memory_space<hbm>>
        %dma_wait3A_187 = tpu.memref_slice %arg4[%multiple_of3A] : memref<6112016xi32, #tpu.memory_space<hbm>> -> memref<2064xi32, #tpu.memory_space<hbm>>
        tpu.wait_dma2 semaphore(%arg15 : memref<!tpu.dma_semaphore, #tpu.memory_space<semaphore_mem>>) src(%dma_wait3A_187 : memref<2064xi32, #tpu.memory_space<hbm>>) dst(%arg12 : memref<2064xi32, #tpu.memory_space<vmem>>)
        %dma_wait3A_188 = tpu.memref_slice %arg5[%multiple_of3A] : memref<6112016xi32, #tpu.memory_space<hbm>> -> memref<2064xi32, #tpu.memory_space<hbm>>
        %dma_wait3A_189 = tpu.memref_slice %arg5[%multiple_of3A] : memref<6112016xi32, #tpu.memory_space<hbm>> -> memref<2064xi32, #tpu.memory_space<hbm>>
        tpu.wait_dma2 semaphore(%arg15 : memref<!tpu.dma_semaphore, #tpu.memory_space<semaphore_mem>>) src(%dma_wait3A_189 : memref<2064xi32, #tpu.memory_space<hbm>>) dst(%arg13 : memref<2064xi32, #tpu.memory_space<vmem>>)
        %sub3A_190 = arith.subi %min3A_118, %multiple_of3A : i32
        %add3A_191 = arith.constant 15 : i32
        %add3A_192 = arith.addi %sub3A_190, %add3A_191 : i32
        %jit3A_193 = arith.constant 16 : i32
        %div3A_194 = arith.divsi %add3A_192, %jit3A_193 : i32
        %sign3A_195 = arith.constant 0 : i32
        %sign3A_196 = arith.cmpi sgt, %add3A_192, %sign3A_195 : i32
        %sign3A_197 = arith.extui %sign3A_196 : i1 to i32
        %sign3A_198 = arith.constant 0 : i32
        %sign3A_199 = arith.cmpi slt, %add3A_192, %sign3A_198 : i32
        %sign3A_200 = arith.extui %sign3A_199 : i1 to i32
        %sign3A_201 = arith.subi %sign3A_197, %sign3A_200 : i32
        %sign3A_202 = arith.constant 0 : i32
        %sign3A_203 = arith.cmpi sgt, %jit3A_193, %sign3A_202 : i32
        %sign3A_204 = arith.extui %sign3A_203 : i1 to i32
        %sign3A_205 = arith.constant 0 : i32
        %sign3A_206 = arith.cmpi slt, %jit3A_193, %sign3A_205 : i32
        %sign3A_207 = arith.extui %sign3A_206 : i1 to i32
        %sign3A_208 = arith.subi %sign3A_204, %sign3A_207 : i32
        %ne3A_209 = arith.cmpi ne, %sign3A_201, %sign3A_208 : i32
        %rem3A_210 = arith.remsi %add3A_192, %jit3A_193 : i32
        %ne3A_211 = arith.constant 0 : i32
        %ne3A_212 = arith.cmpi ne, %rem3A_210, %ne3A_211 : i32
        %and3A_213 = arith.andi %ne3A_209, %ne3A_212 : i1
        %sub3A_214 = arith.constant 1 : i32
        %sub3A_215 = arith.subi %div3A_194, %sub3A_214 : i32
        %select_n3A_216 = arith.select %and3A_213, %sub3A_215, %div3A_194 : i32
        %jit3A_217 = arith.constant 0 : i32
        %jit3A_218 = arith.constant 128 : i32
        %max3A_219 = arith.maxsi %jit3A_217, %select_n3A_216 : i32
        %min3A_220 = arith.minsi %jit3A_218, %max3A_219 : i32
        %while3A_221 = arith.constant 0 : i32
        %while3A_222 = arith.constant 0 : i32
        %while3A_223 = arith.subi %min3A_220, %while3A_221 : i32
        %while3A_224 = arith.addi %while3A_221, %while3A_223 : i32
        %while3A_225 = arith.constant 1 : i32
        %while3A_226 = arith.divsi %while3A_223, %while3A_225 : i32
        %while3A_227 = arith.muli %while3A_226, %while3A_225 : i32
        %while3A_228 = arith.addi %while3A_221, %while3A_227 : i32
        %while3A_229 = arith.constant 1 : i32
        %while3A_230 = scf.for %while3A_234 = %while3A_221 to %while3A_228 step %while3A_229 iter_args(%while3A_235 = %while3A_222) -> (i32)  : i32 {
          %mul3A_236 = arith.constant 16 : i32
          %mul3A_237 = arith.muli %while3A_234, %mul3A_236 : i32
          %get3A_238 = arith.index_cast %mul3A_237 : i32 to index
          %get3A_239 = tpu.vector_load %arg12[%get3A_238] {strides = array<i32>} : memref<2064xi32, #tpu.memory_space<vmem>>, vector<16xi32>,
          %mul3A_240 = arith.constant 16 : i32
          %mul3A_241 = arith.muli %while3A_234, %mul3A_240 : i32
          %add3A_242 = arith.constant 1 : i32
          %add3A_243 = arith.addi %mul3A_241, %add3A_242 : i32
          %get3A_244 = arith.index_cast %add3A_243 : i32 to index
          %get3A_245 = tpu.vector_load %arg12[%get3A_244] {strides = array<i32>} : memref<2064xi32, #tpu.memory_space<vmem>>, vector<16xi32>,
          %mul3A_246 = arith.constant 16 : i32
          %mul3A_247 = arith.muli %while3A_234, %mul3A_246 : i32
          %get3A_248 = arith.index_cast %mul3A_247 : i32 to index
          %get3A_249 = tpu.vector_load %arg13[%get3A_248] {strides = array<i32>} : memref<2064xi32, #tpu.memory_space<vmem>>, vector<16xi32>,
          %and3A_250 = arith.constant 8388607 : i32
          %and3A_251 = vector.broadcast %and3A_250 : i32 to vector<16xi32>
          %and3A_252 = arith.andi %get3A_249, %and3A_251 : vector<16xi32>
          %shift_right_logical3A = arith.constant 8 : i32
          %shift_right_logical3A_253 = vector.broadcast %shift_right_logical3A : i32 to vector<16xi32>
          %shift_right_logical3A_254 = arith.shrui %and3A_252, %shift_right_logical3A_253 : vector<16xi32>
          %ne3A_255 = arith.cmpi ne, %get3A_239, %get3A_245 : vector<16xi32>
          %lt3A_256 = arith.constant 1073741824 : i32
          %lt3A_257 = vector.broadcast %lt3A_256 : i32 to vector<16xi32>
          %lt3A_258 = arith.cmpi slt, %get3A_249, %lt3A_257 : vector<16xi32>
          %and3A_259 = arith.andi %ne3A_255, %lt3A_258 : vector<16xi1>
          %ge3A = vector.broadcast %add3A_100 : i32 to vector<16xi32>
          %ge3A_260 = arith.cmpi sge, %get3A_239, %ge3A : vector<16xi32>
          %and3A_261 = arith.andi %and3A_259, %ge3A_260 : vector<16xi1>
          %lt3A_262 = vector.broadcast %add3A_102 : i32 to vector<16xi32>
          %lt3A_263 = arith.cmpi slt, %get3A_239, %lt3A_262 : vector<16xi32>
          %and3A_264 = arith.andi %and3A_261, %lt3A_263 : vector<16xi1>
          %sub3A_265 = vector.broadcast %mul3A_48 : i32 to vector<16xi32>
          %sub3A_266 = arith.subi %shift_right_logical3A_254, %sub3A_265 : vector<16xi32>
          %jit3A_267 = arith.constant 0 : i32
          %jit3A_268 = arith.constant 32127 : i32
          %max3A_269 = vector.broadcast %jit3A_267 : i32 to vector<16xi32>
          %max3A_270 = arith.maxsi %max3A_269, %sub3A_266 : vector<16xi32>
          %min3A_271 = vector.broadcast %jit3A_268 : i32 to vector<16xi32>
          %min3A_272 = arith.minsi %min3A_271, %max3A_270 : vector<16xi32>
          %gather3A = tpu.vector_load_idx %arg9[%min3A_272] : memref<32144xf32, #tpu.memory_space<vmem>>[vector<16xi32>], vector<16xf32>,
          %sub3A_273 = vector.broadcast %add3A_100 : i32 to vector<16xi32>
          %sub3A_274 = arith.subi %get3A_239, %sub3A_273 : vector<16xi32>
          %select_n3A_275 = arith.select %and3A_264, %sub3A_274, %iota3A : vector<16xi1>, vector<16xi32>
          tpu.vector_store_idx %arg11[%select_n3A_275], %gather3A masked %and3A_264 : memref<10000xf32, #tpu.memory_space<vmem>>[vector<16xi32>], vector<16xf32>, vector<16xi1>
          %while3A_276 = arith.constant 0 : i32
          scf.yield %while3A_276 : i32
        }
        %while3A_231 = arith.constant 1 : i32
        %while3A_232 = scf.for %while3A_234 = %while3A_228 to %while3A_224 step %while3A_231 iter_args(%while3A_235 = %while3A_230) -> (i32)  : i32 {
          %mul3A_236 = arith.constant 16 : i32
          %mul3A_237 = arith.muli %while3A_234, %mul3A_236 : i32
          %get3A_238 = arith.index_cast %mul3A_237 : i32 to index
          %get3A_239 = tpu.vector_load %arg12[%get3A_238] {strides = array<i32>} : memref<2064xi32, #tpu.memory_space<vmem>>, vector<16xi32>,
          %mul3A_240 = arith.constant 16 : i32
          %mul3A_241 = arith.muli %while3A_234, %mul3A_240 : i32
          %add3A_242 = arith.constant 1 : i32
          %add3A_243 = arith.addi %mul3A_241, %add3A_242 : i32
          %get3A_244 = arith.index_cast %add3A_243 : i32 to index
          %get3A_245 = tpu.vector_load %arg12[%get3A_244] {strides = array<i32>} : memref<2064xi32, #tpu.memory_space<vmem>>, vector<16xi32>,
          %mul3A_246 = arith.constant 16 : i32
          %mul3A_247 = arith.muli %while3A_234, %mul3A_246 : i32
          %get3A_248 = arith.index_cast %mul3A_247 : i32 to index
          %get3A_249 = tpu.vector_load %arg13[%get3A_248] {strides = array<i32>} : memref<2064xi32, #tpu.memory_space<vmem>>, vector<16xi32>,
          %and3A_250 = arith.constant 8388607 : i32
          %and3A_251 = vector.broadcast %and3A_250 : i32 to vector<16xi32>
          %and3A_252 = arith.andi %get3A_249, %and3A_251 : vector<16xi32>
          %shift_right_logical3A = arith.constant 8 : i32
          %shift_right_logical3A_253 = vector.broadcast %shift_right_logical3A : i32 to vector<16xi32>
          %shift_right_logical3A_254 = arith.shrui %and3A_252, %shift_right_logical3A_253 : vector<16xi32>
          %ne3A_255 = arith.cmpi ne, %get3A_239, %get3A_245 : vector<16xi32>
          %lt3A_256 = arith.constant 1073741824 : i32
          %lt3A_257 = vector.broadcast %lt3A_256 : i32 to vector<16xi32>
          %lt3A_258 = arith.cmpi slt, %get3A_249, %lt3A_257 : vector<16xi32>
          %and3A_259 = arith.andi %ne3A_255, %lt3A_258 : vector<16xi1>
          %ge3A = vector.broadcast %add3A_100 : i32 to vector<16xi32>
          %ge3A_260 = arith.cmpi sge, %get3A_239, %ge3A : vector<16xi32>
          %and3A_261 = arith.andi %and3A_259, %ge3A_260 : vector<16xi1>
          %lt3A_262 = vector.broadcast %add3A_102 : i32 to vector<16xi32>
          %lt3A_263 = arith.cmpi slt, %get3A_239, %lt3A_262 : vector<16xi32>
          %and3A_264 = arith.andi %and3A_261, %lt3A_263 : vector<16xi1>
          %sub3A_265 = vector.broadcast %mul3A_48 : i32 to vector<16xi32>
          %sub3A_266 = arith.subi %shift_right_logical3A_254, %sub3A_265 : vector<16xi32>
          %jit3A_267 = arith.constant 0 : i32
          %jit3A_268 = arith.constant 32127 : i32
          %max3A_269 = vector.broadcast %jit3A_267 : i32 to vector<16xi32>
          %max3A_270 = arith.maxsi %max3A_269, %sub3A_266 : vector<16xi32>
          %min3A_271 = vector.broadcast %jit3A_268 : i32 to vector<16xi32>
          %min3A_272 = arith.minsi %min3A_271, %max3A_270 : vector<16xi32>
          %gather3A = tpu.vector_load_idx %arg9[%min3A_272] : memref<32144xf32, #tpu.memory_space<vmem>>[vector<16xi32>], vector<16xf32>,
          %sub3A_273 = vector.broadcast %add3A_100 : i32 to vector<16xi32>
          %sub3A_274 = arith.subi %get3A_239, %sub3A_273 : vector<16xi32>
          %select_n3A_275 = arith.select %and3A_264, %sub3A_274, %iota3A : vector<16xi1>, vector<16xi32>
          tpu.vector_store_idx %arg11[%select_n3A_275], %gather3A masked %and3A_264 : memref<10000xf32, #tpu.memory_space<vmem>>[vector<16xi32>], vector<16xf32>, vector<16xi1>
          %while3A_276 = arith.constant 0 : i32
          scf.yield %while3A_276 : i32
        }
        %while3A_233 = arith.constant 0 : i32
        scf.yield %while3A_233 : i32
      }
      "tpu.region"() ({
        %run_scoped3A = tpu.sem_alloc : memref<!tpu.dma_semaphore, #tpu.memory_space<semaphore_mem>>
        %dma_start3A = tpu.memref_slice %arg7[%add3A_100] : memref<16000000xf32, #tpu.memory_space<hbm>> -> memref<10000xf32, #tpu.memory_space<hbm>>
        %dma_start3A_177 = tpu.memref_slice %arg7[%add3A_100] : memref<16000000xf32, #tpu.memory_space<hbm>> -> memref<10000xf32, #tpu.memory_space<hbm>>
        tpu.enqueue_dma source(%arg11 : memref<10000xf32, #tpu.memory_space<vmem>>) target(%dma_start3A_177 : memref<10000xf32, #tpu.memory_space<hbm>>) target_semaphore(%run_scoped3A : memref<!tpu.dma_semaphore, #tpu.memory_space<semaphore_mem>>)
        %dma_wait3A = tpu.memref_slice %arg7[%add3A_100] : memref<16000000xf32, #tpu.memory_space<hbm>> -> memref<10000xf32, #tpu.memory_space<hbm>>
        %dma_wait3A_178 = tpu.memref_slice %arg7[%add3A_100] : memref<16000000xf32, #tpu.memory_space<hbm>> -> memref<10000xf32, #tpu.memory_space<hbm>>
        tpu.wait_dma2 semaphore(%run_scoped3A : memref<!tpu.dma_semaphore, #tpu.memory_space<semaphore_mem>>) src(%arg11 : memref<10000xf32, #tpu.memory_space<vmem>>) dst(%dma_wait3A_178 : memref<10000xf32, #tpu.memory_space<hbm>>)
        tpu.yield
      }) : () -> ()
      %scan3A_176 = arith.constant 0 : i32
      scf.yield %scan3A_176 : i32
    }
    %scan3A_95 = arith.constant 50 : i32
    return
  }
}

</mosaic_0001>

<sc_bundles>
// kernel: qtmask_sc.3.cloned.1.call-start
scs
__scs_entry_jumppad:
0x0: {  	(pc) =	sbr.rel $0x88, $3  }
0x1: {  	(tag) =	ssettag $0x0;
	lr =	simm.s32 $0x1  }
0x2: {  	[smem:$0x3F9C] =	sst lr;
	_ =	strace $0xD0000000  }
0x3: {  	_ = 	snop  }
0x4: {  	_ = 	snop  }
0x5: {  	_ = 	snop  }
0x6: {  	_ = 	snop  }
0x7: {  	_ = 	snop  }
__scs_overlays_trampoline_lowered:
0x8: {  	[smem:$0x3FAB] =	sst s0  }
0x9: {  	[smem:$0x3FAC] =	sst s1  }
0xa: {  	[smem:$0x3FAD] =	sst s2  }
0xb: {  	[smem:$0x3FAE] =	sst s3  }
0xc: {  	[smem:$0x3FAF] =	sst s4  }
0xd: {  	[smem:$0x3FB0] =	sst s5  }
0xe: {  	[smem:$0x3FB1] =	sst s6  }
0xf: {  	[smem:$0x3FB2] =	sst s7  }
0x10: {  	[smem:$0x3FB3] =	sst s8  }
0x11: {  	[smem:$0x3FB4] =	sst s9;
	s0 =	simm.s32 @!p0 $0x0  }
0x12: {  	s1 =	sld [smem:$0x3F9A];
	s0 =	simm.s32 @p0 $0x1  }
0x13: {  	[smem:$0x3FB5] =	sst s0;
	s0 =	simm.s32 @!p1 $0x0  }
0x14: {  	s2 =	sld [smem:$0x3F99];
	s0 =	simm.s32 @p1 $0x1  }
0x15: {  	[smem:$0x3FB6] =	sst s0;
	s0 =	simm.s32 @!p2 $0x0  }
0x16: {  	s3 =	sld [smem:$0x3FDB];
	s0 =	simm.s32 @p2 $0x1  }
0x17: {  	s4 =	simm.s32 $0x1BF5;
	[smem:$0x3FB8] =	sst s0  }
0x18: {  	s0 =	sld [smem:$0x3F9B];
	_ =	swait.ge [sflag:s4], $0x0  }
0x19: {  	s7 =	sld [smem:$0x3F9C]  }
0x1a: {  	s8 =	sadd.s32 $0xFFFFE003, lr  }
0x1b: {  	s9 =	sadd.s32 $0xFFFFFEF7, lr;
	s5 =	simm.s32 $0xFFFFFFFF;
	p2 =	slt.u32 s8, $0xFFFFF086  }
0x1c: {  	p1 =	slt.u32 s9, $0xF7A;
	s5 =	simm.s32 @!p2 $0x0  }
0x1d: {  	s5 =	simm.s32 @p1 $0x1;
	p0 =	seq.s32 s7, s2  }
0x1e: {  	s7 =	smul.u32 @!p0 $0xF7A, s2;
	p2 =	seq.s32 @!p0 s5, $0x0  }
0x1f: {  	s9 =	smul.u32 $0xF7A, s1;
	s8 =	simm.s32 @!p0 $0x1BF5;
	p2 =	por !p2, p0  }
0x20: {  	[sflag:s8] =	ssyncset.s32 @!p0 $0xFFFFF086;
	s6 =	sadd.s32 @!p0 s3, s7;
	s7 =	simm.s32 @!p0 $0x108  }
0x21: {  	s3 =	sadd.s32 s3, s9;
	s6 =	sadd.s32 @!p0 $0x88, s6;
	s7 =	simm.s32 @p2 $0x1082  }
0x22: {  	[simem:s7], [sflag:s8] =	dma.local @!p0 [hbm:s6], $0xF7A  }
0x23: {  	s9 =	sor.u32 $0xD0000000, s2;
	s6 =	simm.s32 $0x108;
	_ =	swait.ge @!p0 [sflag:s8], $0x0  }
0x24: {  	s3 =	sadd.s32 $0x88, s3;
	s6 =	simm.s32 @!p1 $0x1082;
	[sflag:s4] =	ssyncset.s32 $0xFFFFF086  }
0x25: {  	[simem:s6], [sflag:s4] =	dma.local [hbm:s3], $0xF7A  }
0x26: {  	[smem:$0x3F9C] =	sst s1;
	(tag) =	ssettag s2;
	_ =	strace s9  }
0x27: {  	s1 =	sld [smem:$0x3FAC]  }
0x28: {  	s2 =	sld [smem:$0x3FAD]  }
0x29: {  	s4 =	sld [smem:$0x3FAF]  }
0x2a: {  	p0 =	seq.s32 s5, $0x0;
	s5 =	sld [smem:$0x3FB0]  }
0x2b: {  	s6 =	sld [smem:$0x3FB1]  }
0x2c: {  	s7 =	sld [smem:$0x3FB2]  }
0x2d: {  	s3 =	simm.s32 $0x108;
	s8 =	sld [smem:$0x3FB3]  }
0x2e: {  	s3 =	simm.s32 @!p0 $0x1082;
	s9 =	sld [smem:$0x3FB4]  }
0x2f: {  	lr =	sadd.s32 s0, s3;
	s0 =	sld [smem:$0x3FAB]  }
0x30: {  	s3 =	sld [smem:$0x3FAE]  }
0x31: {  	[smem:$0x3FB7] =	sst s10  }
0x32: {  	s10 =	sld [smem:$0x3FB5];
	_ =	sdelay $0x3  }
0x33: {  	p0 =	seq.s32 s10, $0x1;
	s10 =	sld [smem:$0x3FB7];
	_ =	sdelay $0x3  }
0x34: {  	[smem:$0x3FB7] =	sst s10  }
0x35: {  	s10 =	sld [smem:$0x3FB6];
	_ =	sdelay $0x3  }
0x36: {  	p1 =	seq.s32 s10, $0x1;
	s10 =	sld [smem:$0x3FB7];
	_ =	sdelay $0x3  }
0x37: {  	[smem:$0x3FB7] =	sst s10  }
0x38: {  	s10 =	sld [smem:$0x3FB8]  }
0x39: {  	_ = 	snop;
	(pc) =	sbr.ind lr, $3  }
0x3a: {  	_ = 	snop  }
0x3b: {  	_ = 	snop  }
0x3c: {  	p2 =	seq.s32 s10, $0x1;
	s10 =	sld [smem:$0x3FB7]  }
0x3d: {  	_ =	shalt  }
0x3e: {  	_ =	shalt  }
0x3f: {  	_ =	shalt  }
0x40: {  	_ =	shalt  }
0x41: {  	_ =	shalt  }
0x42: {  	_ =	shalt  }
0x43: {  	_ =	shalt  }
0x44: {  	_ =	shalt  }
0x45: {  	_ =	shalt  }
0x46: {  	_ =	shalt  }
0x47: {  	_ =	shalt  }
0x48: {  	_ =	shalt  }
0x49: {  	_ =	shalt  }
0x4a: {  	_ =	shalt  }
0x4b: {  	_ =	shalt  }
0x4c: {  	_ =	shalt  }
0x4d: {  	_ =	shalt  }
0x4e: {  	_ =	shalt  }
0x4f: {  	_ =	shalt  }
0x50: {  	_ =	shalt  }
0x51: {  	_ =	shalt  }
0x52: {  	_ =	shalt  }
0x53: {  	_ =	shalt  }
0x54: {  	_ =	shalt  }
0x55: {  	_ =	shalt  }
0x56: {  	_ =	shalt  }
0x57: {  	_ =	shalt  }
0x58: {  	_ =	shalt  }
0x59: {  	_ =	shalt  }
0x5a: {  	_ =	shalt  }
0x5b: {  	_ =	shalt  }
0x5c: {  	_ =	shalt  }
0x5d: {  	_ =	shalt  }
0x5e: {  	_ =	shalt  }
0x5f: {  	_ =	shalt  }
0x60: {  	_ =	shalt  }
0x61: {  	_ =	shalt  }
0x62: {  	_ =	shalt  }
0x63: {  	_ =	shalt  }
0x64: {  	_ =	shalt  }
0x65: {  	_ =	shalt  }
0x66: {  	_ =	shalt  }
0x67: {  	_ =	shalt  }
0x68: {  	_ =	shalt  }
0x69: {  	_ =	shalt  }
0x6a: {  	_ =	shalt  }
0x6b: {  	_ =	shalt  }
0x6c: {  	_ =	shalt  }
0x6d: {  	_ =	shalt  }
0x6e: {  	_ =	shalt  }
0x6f: {  	_ =	shalt  }
0x70: {  	_ =	shalt  }
0x71: {  	_ =	shalt  }
0x72: {  	_ =	shalt  }
0x73: {  	_ =	shalt  }
0x74: {  	_ =	shalt  }
0x75: {  	_ =	shalt  }
0x76: {  	_ =	shalt  }
0x77: {  	_ =	shalt  }
0x78: {  	_ =	shalt  }
0x79: {  	_ =	shalt  }
0x7a: {  	_ =	shalt  }
0x7b: {  	_ =	shalt  }
0x7c: {  	_ =	shalt  }
0x7d: {  	_ =	shalt  }
0x7e: {  	_ =	shalt  }
0x7f: {  	_ =	shalt  }
0x80: {  	_ =	shalt  }
0x81: {  	_ =	shalt  }
0x82: {  	_ =	shalt  }
0x83: {  	_ =	shalt  }
0x84: {  	_ =	shalt  }
0x85: {  	_ =	shalt  }
0x86: {  	_ =	shalt  }
0x87: {  	_ =	shalt  }
.Lfunc_end0:
.L_simem_size_0:
called_computation_lowered:
.L_overlay_start_0:
0x88: {  	s2 =	sld [smem:$0x3FD9]  }
0x89: {  	s3 =	sld [smem:$0x3FFE];
	_ =	sdelay $0x1  }
0x8a: {  	s1 =	srdreg.scid  }
0x8b: {  	s0 =	sand.u32 $0x1, s1  }
0x8c: {  	s18 =	sshll.u32 s0, $0xA;
	s2 =	sadd.s32 s3, s2  }
0x8d: {  	s2 =	sadd.s32 s2, s18  }
0x8e: {  	[smem:$0x3FC3] =	sst s2  }
0x8f: {  	_ = 	snop  }
0x90: {  	s2 =	sld [smem:$0x3FC9]  }
0x91: {  	s19 =	sld [smem:$0x3FC8]  }
0x92: {  	s4 =	sld [smem:$0x3FC7]  }
0x93: {  	s5 =	sld [smem:$0x3FC6]  }
0x94: {  	s6 =	sld [smem:$0x3FC5]  }
0x95: {  	s7 =	sld [smem:$0x3FD0];
	(tm) =	ssettm $0x1  }
0x96: {  	s8 =	sld [smem:$0x3FFB];
	_ =	sdelay $0x3  }
0x97: {  	_ =	strace s8  }
0x98: {  	s8 =	sld [smem:$0x3FFC];
	_ =	sdelay $0x3  }
0x99: {  	_ =	strace s8  }
0x9a: {  	s8 =	sld [smem:$0x3FFD];
	_ =	sdelay $0x3  }
0x9b: {  	_ =	strace s8  }
0x9c: {  	_ =	strace $0x8FFFFFFF  }
0x9d: {  	s20 =	sld [smem:$0x3FDB];
	_ =	sdelay $0x1  }
0x9e: {  	s9 =	simm.s32 $_scs_section_size  }
0x9f: {  	s10 =	simm.s32 $_size__tile_overlayer_lowered;
	s11 =	simm.s32 $_tile_overlayer_lowered  }
0xa0: {  	s23 =	simm.s32 $0x1BFF;
	s22 =	sshll.u32 s11, $0x1;
	s8 =	sadd.s32 s9, s20  }
0xa1: {  	s12 =	simm.s32 $0x0;
	s21 =	sshll.u32 s10, $0x1;
	s10 =	sadd.s32 s22, s8  }
0xa2: {  	[timem:s12], [sflag:s23] =	dma.local [hbm:s10], s21  }
0xa3: {  	_ =	swait.ge [sflag:s23], s21  }
0xa4: {  	s9 =	ssub.s32 $0x0, s21;
	[sflag:s23] =	ssyncset.done $0x0  }
0xa5: {  	[sflag:s23] =	ssyncadd.s32 s9;
	_ =	sdelay $0x1  }
0xa6: {  	s24 =	simm.s32 $0x1B8B  }
0xa7: {  	_ =	swait.ge [sflag:s24], $0x1  }
0xa8: {  	[sflag:s24] =	ssyncset.done $0x0  }
0xa9: {  	s25 =	simm.s32 $0x1B8E;
	[sflag:s24] =	ssyncadd.s32 $0xFFFFFFFF  }
0xaa: {  	s26 =	simm.s32 $execute0_lowered;
	[smem:$0x3FD2] =	sst s25  }
0xab: {  	s9 =	sshll.u32 s26, $0x1;
	_ =	strace $0x80000046;
	[dreg:$0x1] =	wrdreg $0xFFFFFFFF  }
0xac: {  	s28 =	simm.s32 $_size_execute0_lowered;
	s8 =	sadd.s32 s8, s9;
	[dreg:$0x0] =	wrdreg $0x0  }
0xad: {  	s9 =	sshll.u32 s28, $0x1;
	[dreg:$0x2] =	wrdreg s8  }
0xae: {  	[dreg:$0x3] =	wrdreg s9  }
0xaf: {  	[dreg:$0x4] =	wrdreg $0xC0  }
0xb0: {  	_ =	task [dreg:s12], $0x5FFFF  }
0xb1: {  	[dreg:$0x1] =	wrdreg $0xFFFFFFFF  }
0xb2: {  	[dreg:$0x0] =	wrdreg $0x60  }
0xb3: {  	[dreg:$0x2] =	wrdreg s2  }
0xb4: {  	[dreg:$0x3] =	wrdreg s19  }
0xb5: {  	[dreg:$0x4] =	wrdreg s4  }
0xb6: {  	[dreg:$0x5] =	wrdreg s5  }
0xb7: {  	[dreg:$0x6] =	wrdreg s6  }
0xb8: {  	[dreg:$0x7] =	wrdreg s7  }
0xb9: {  	[dreg:$0x8] =	wrdreg $0x9  }
0xba: {  	_ =	task.clear_ibuf [dreg:s12], $0x9FFFF;
	_ =	strace $0x90000046  }
0xbb: {  	s29 =	simm.s32 $0x9;
	_ =	strace $0x80000048  }
0xbc: {  	_ =	swait.ge [sflag:s29], $0x1  }
0xbd: {  	[sflag:s29] =	ssyncadd.s32 $0xFFFFFFFF  }
0xbe: {  	_ =	strace $0x90000048  }
0xbf: {  	_ =	sfence  }
0xc0: {  	s30 =	sld [smem:$0x0];
	_ =	sdelay $0x2  }
0xc1: {  	s31 =	sshll.u32 s1, $0xD;
	s1 =	sshrl.u32 s1, $0x2  }
0xc2: {  	s3 =	sand.u32 $0x4000, s31;
	s1 =	sadd.s32 s1, s30  }
0xc3: {  	s0 =	sor.u32 s3, s0;
	s1 =	sshll.u32 s1, $0x11  }
0xc4: {  	s0 =	sor.u32 s1, s0  }
0xc5: {  	s0 =	sadd.s32 $0x8F2B, s0  }
0xc6: {  	[sflag:s0] =	ssyncadd.remote.s32 $0x1  }
0xc7: {  	_ =	sfence.sel $0xFFFF  }
0xc8: {  	[dreg:$0x0] =	wrdreg $0xFFFFFFFF;
	(pc) =	sbr.abs _section_cstart, $3  }
0xc9: {  	[dreg:$0x1] =	wrdreg $0xFFFFFFFF  }
0xca: {  	_ =	task.clear_ibuf [dreg:s12], $0x2FFFF;
	_ =	strace $0x9FFFFFFF  }
0xcb: {  	(tm) =	ssettm $0x7FFFFFFF  }
tec
execute0_lowered:
.L_overlay_start_1:
0x0: {  	(tag) =	ssettag $0x1  }
0x1: {  	s0 =	rddreg [dreg:$0x0]  }
0x2: {  	s1 =	rddreg [dreg:$0x1]  }
0x3: {  	s3 =	rddreg [dreg:$0x2]  }
0x4: {  	s4 =	rddreg [dreg:$0x3]  }
0x5: {  	s6 =	rddreg [dreg:$0x4];
	s2 =	srdreg.scid  }
0x6: {  	s5 =	stileid.u32;
	s7 =	rddreg [dreg:$0x5];
	s8 =	simm.s32 $0x0  }
0x7: {  	s13 =	simm.s32 $0x2;
	s14 =	simm.s32 $0x13480;
	s15 =	simm.s32 $0x1  }
0x8: {  	s16 =	simm.s32 $0x80;
	s2 =	sand.u32 $0x1, s2;
	s5 =	sshll.u32 s5, $0x1  }
0x9: {  	s17 =	simm.s32 $0xFB80;
	s18 =	simm.s32 $0xFC00;
	s5 =	sor.u32 s2, s5  }
0xa: {  	s19 =	simm.s32 $0x12380;
	s20 =	simm.s32 $0x12C00;
	s10 =	smul.u32 $0xC8, s5  }
.Ltmp0:
0xb: {  	s21 =	simm.s32 $0x7D80;
	[smem:$0x7FF] =	sst s8;
	(pc) =	sbr.rel .LBB2_1-.Ltmp0, $4  }
0xc: {  	s2 =	ssub.s32 $0x2, s2;
	_ =	strace $0x80000047;
	s9 =	smul.u32 $0x7A120, s5  }
0xd: {  	s11 =	sshrl.u32 s2, $0x1;
	p0 =	seq.s32 s5, $0x1F;
	s12 =	sshrl.u32 s10, $0x2  }
0xe: {  	s2 =	ssub.s32 s2, s11;
	s10 =	sadd.s32 $0xFFFFFF5A, s9;
	s22 =	sadd.s32 $0x13480, s12  }
0xf: {  	v0 =	vimm.s32 $0x0;
	v1 =	vlaneseq.u32;
	s11 =	sadd.s32 $0x7A138, s9;
	s12 =	smax.u32 s2, $0x1;
	v2 =	vmov s22;
	s22 =	simm.s32 $0x0  }
.LBB2_21:
0x10: {  	s22 =	sadd.s32 $0x1, s22  }
0x11: {  	p1 =	sne.s32 s22, s12  }
.Ltmp1:
0x12: {  	_ = 	snop;
	(pc) =	sbr.rel @!p1 .LBB2_22-.Ltmp1, $1  }
0x13: {  	_ =	sdelay $0x3  }
.LBB2_1:
0x14: {  	[tilespmem:s8], [sflag:$0x2] =	stream.linear.gather [hbm4b:s1+s8], $0x7D00, $0x38;
	[tilespmem:$0x13B00] =	vst v63  }
0x15: {  	s2 =	simm.s32 $0x7D00  }
0x16: {  	_ =	swait.ge [sflag:s13], $0x7D00;
	s2 =	sand.u32 $0x1, s2  }
0x17: {  	p1 =	por $0x0, $0x0;
	[sflag:s13] =	ssyncset.done $0x0;
	p2 =	seq.s32 s2, $0x1  }
0x18: {  	[sflag:s13] =	ssyncadd.s32 $0xFFFF8300;
	p1 =	por !p1, !p2  }
0x19: {  	[tilespmem:s14], [sflag:$0x2] =	stream.linear.gather [hbm4b:s6+s8], $0x641, $0x38;
	[tilespmem:$0x13B00] =	vst v63  }
0x1a: {  	s2 =	simm.s32 $0x1;
	p1 =	por !p1, !p1  }
0x1b: {  	s2 =	simm.s32 @!p1 $0x0  }
0x1c: {  	_ =	swait.ge [sflag:s13], $0x641;
	s24 =	ssub.s32 $0x3E80, s2  }
0x1d: {  	[sflag:s13] =	ssyncset.done $0x0;
	p1 =	slt.s32 s24, $0x7CFF  }
0x1e: {  	[sflag:s13] =	ssyncadd.s32 $0xFFFFF9BF;
	s24 =	simm.s32 @!p1 $0x7CFF  }
0x1f: {  	v3 =	vld [tilespmem:s24+$0x0];
	_ =	sdelay $0x4  }
0x20: {  	(v2sf) =	vpush v3, $0x0;
	_ =	sdelay $0xd  }
0x21: {  	s23 =	simm.s32 $0x7D00  }
0x22: {  	s25 =	simm.s32 $0xE;
	s26 =	simm.s32 $0x7D00;
	s31 =	spop (v2sf)  }
0x23: {  	s2 =	simm.s32 $0x0;
	s5 =	sadd.s32 $0x1, s24;
	p3 =	sle.s32 s31, s10  }
0x24: {  	p1 =	sgt.s32 s31, s10;
	s2 =	smov.u32 @p3 s5;
	s5 =	simm.s32 $0x7D00  }
0x25: {  	p2 =	por $0x1, $0x1;
	s5 =	smov.u32 @p1 s24;
	s24 =	simm.s32 $0x0  }
.LBB2_2:
0x26: {  	p1 =	sne.s32 s25, $0x1;
	s24 =	smov.u32 @p2 s2;
	s26 =	smov.u32 @p2 s5  }
0x27: {  	s25 =	sadd.s32 $0xFFFFFFFF, s25;
	s2 =	sadd.s32 s24, s26  }
0x28: {  	s5 =	sshrl.u32 s2, $0x1F;
	s28 =	sand.u32 $0x1, s2  }
0x29: {  	p2 =	slt.s32 s2, $0x1;
	s5 =	sadd.s32 s5, s2;
	p3 =	seq.s32 s28, $0x1  }
0x2a: {  	p2 =	por !p2, !p3  }
0x2b: {  	s2 =	sshra.s32 s5, $0x1;
	s5 =	simm.s32 $0x1;
	p2 =	por !p2, !p2  }
0x2c: {  	s5 =	simm.s32 @!p2 $0x0  }
0x2d: {  	s28 =	ssub.s32 s2, s5  }
0x2e: {  	p2 =	slt.s32 s28, $0x7CFF  }
0x2f: {  	s28 =	simm.s32 @!p2 $0x7CFF  }
0x30: {  	v3 =	vld [tilespmem:s28+$0x0];
	_ =	sdelay $0x4  }
0x31: {  	(v2sf) =	vpush v3, $0x0;
	_ =	sdelay $0xd  }
.Ltmp2:
0x32: {  	(pc) =	sbr.rel @p1 .LBB2_2-.Ltmp2, $4  }
0x33: {  	s5 =	sadd.s32 $0x1, s28;
	s2 =	spop (v2sf)  }
0x34: {  	p3 =	sgt.s32 s2, s10;
	p4 =	sle.s32 s2, s10;
	s2 =	smov.u32 s24  }
0x35: {  	s2 =	smov.u32 @p4 s5;
	s5 =	smov.u32 s26  }
0x36: {  	p2 =	slt.s32 s24, s26;
	s5 =	smov.u32 @p3 s28  }
0x37: {  	s5 =	simm.s32 $0x7D00  }
0x38: {  	s5 =	sand.u32 $0x1, s5  }
0x39: {  	p1 =	por $0x0, $0x0;
	p3 =	seq.s32 s5, $0x1  }
0x3a: {  	p1 =	por !p1, !p3  }
0x3b: {  	s5 =	simm.s32 $0x1;
	p1 =	por !p1, !p1  }
0x3c: {  	s5 =	simm.s32 @!p1 $0x0  }
0x3d: {  	s28 =	ssub.s32 $0x3E80, s5  }
0x3e: {  	p1 =	slt.s32 s28, $0x7CFF  }
0x3f: {  	s28 =	simm.s32 @!p1 $0x7CFF  }
0x40: {  	v3 =	vld [tilespmem:s28+$0x0];
	_ =	sdelay $0x4  }
0x41: {  	(v2sf) =	vpush v3, $0x0;
	_ =	sdelay $0xd  }
0x42: {  	s24 =	smov.u32 @p2 s2;
	s25 =	simm.s32 $0x0;
	s2 =	simm.s32 $0x0  }
0x43: {  	p2 =	por $0x1, $0x1;
	s5 =	simm.s32 $0x7D00;
	s31 =	spop (v2sf)  }
0x44: {  	s26 =	sadd.s32 $0x1, s28;
	p1 =	sle.s32 s31, s11;
	p3 =	sgt.s32 s31, s11  }
0x45: {  	s2 =	smov.u32 @p1 s26;
	s26 =	simm.s32 $0xE;
	s5 =	smov.u32 @p3 s28  }
.LBB2_4:
0x46: {  	p1 =	sne.s32 s26, $0x1;
	s25 =	smov.u32 @p2 s2;
	s23 =	smov.u32 @p2 s5  }
0x47: {  	s26 =	sadd.s32 $0xFFFFFFFF, s26;
	s2 =	sadd.s32 s25, s23  }
0x48: {  	s5 =	sshrl.u32 s2, $0x1F;
	s28 =	sand.u32 $0x1, s2  }
0x49: {  	p2 =	slt.s32 s2, $0x1;
	s5 =	sadd.s32 s5, s2;
	p3 =	seq.s32 s28, $0x1  }
0x4a: {  	p2 =	por !p2, !p3  }
0x4b: {  	s2 =	sshra.s32 s5, $0x1;
	s5 =	simm.s32 $0x1;
	p2 =	por !p2, !p2  }
0x4c: {  	s5 =	simm.s32 @!p2 $0x0  }
0x4d: {  	s28 =	ssub.s32 s2, s5  }
0x4e: {  	p2 =	slt.s32 s28, $0x7CFF  }
0x4f: {  	s28 =	simm.s32 @!p2 $0x7CFF  }
0x50: {  	v3 =	vld [tilespmem:s28+$0x0];
	_ =	sdelay $0x4  }
0x51: {  	(v2sf) =	vpush v3, $0x0;
	_ =	sdelay $0xd  }
.Ltmp3:
0x52: {  	(pc) =	sbr.rel @p1 .LBB2_4-.Ltmp3, $4  }
0x53: {  	s5 =	sadd.s32 $0x1, s28;
	s2 =	spop (v2sf)  }
0x54: {  	p3 =	sgt.s32 s2, s11;
	p4 =	sle.s32 s2, s11;
	s2 =	smov.u32 s25  }
0x55: {  	s2 =	smov.u32 @p4 s5;
	s5 =	smov.u32 s23  }
0x56: {  	p2 =	slt.s32 s25, s23;
	s5 =	smov.u32 @p3 s28  }
0x57: {  	s24 =	simm.s32 @p0 $0x0  }
0x58: {  	s5 =	sand.u32 $0x7F, s24  }
0x59: {  	s23 =	sshra.s32 s24, $0x1F;
	p1 =	slt.s32 s24, $0x1;
	p3 =	sne.s32 s5, $0x0  }
0x5a: {  	s26 =	sshrl.u32 s23, $0x19;
	p1 =	por !p1, !p3  }
0x5b: {  	s23 =	simm.s32 $0x1;
	s5 =	sadd.s32 s26, s24;
	p1 =	por !p1, !p1  }
0x5c: {  	s5 =	sshra.s32 s5, $0x7;
	s23 =	simm.s32 @!p1 $0x0  }
0x5d: {  	s25 =	smov.u32 @p2 s2;
	s2 =	ssub.s32 s5, s23  }
0x5e: {  	s25 =	simm.s32 @p0 $0x7D00;
	s23 =	sshll.u32 s2, $0x7  }
0x5f: {  	s28 =	ssub.s32 s25, s23  }
0x60: {  	s29 =	sadd.s32 $0x7F, s28  }
0x61: {  	s30 =	sand.u32 $0x7F, s29  }
0x62: {  	p5 =	slt.s32 s28, $0xFFFFFF82;
	s31 =	sshra.s32 s29, $0x1F;
	p6 =	sne.s32 s30, $0x0  }
0x63: {  	s5 =	sshrl.u32 s31, $0x19;
	p1 =	por !p5, !p6  }
0x64: {  	s24 =	simm.s32 $0x1;
	s5 =	sadd.s32 s5, s29;
	p1 =	por !p1, !p1  }
0x65: {  	s5 =	sshra.s32 s5, $0x7;
	s24 =	simm.s32 @!p1 $0x0  }
0x66: {  	s26 =	ssub.s32 s5, s24  }
0x67: {  	p1 =	slt.s32 s26, $0x1  }
.Ltmp4:
0x68: {  	_ = 	snop;
	(pc) =	sbr.rel @p1 .LBB2_9-.Ltmp4, $1  }
0x69: {  	_ =	sdelay $0x3  }
0x6a: {  	s2 =	sshll.u32 s2, $0x9  }
0x6b: {  	s2 =	sshra.s32 s2, $0x2  }
0x6c: {  	s24 =	sor.u32 $0x40, s2  }
0x6d: {  	v3 =	vld [tilespmem:s24+$0xFFFFFFC0];
	_ =	sdelay $0x4  }
0x6e: {  	vm0 =	vlt.s32 v3, $0x1A  }
0x6f: {  	v4 =	vsel vm0, $0xF42400, v0  }
0x70: {  	v4 =	vadd.s32 v4, v3  }
0x71: {  	v4 =	vadd.s32 $0xFFFFFFE6, v4  }
0x72: {  	vm5 =	vgt.s32 v4, $0x0  }
0x73: {  	v4 =	vnsel vm5, $0x0, v4  }
0x74: {  	vm6 =	veq.s32 v3, $0x19;
	v3 =	vmin.u32 v4, $0xF423FF  }
0x75: {  	v3 =	vsel vm6, $0x0, v3  }
0x76: {  	[tilespmem:$0xFB80] =	vst v3  }
0x77: {  	v3 =	vld [tilespmem:s24+$0xFFFFFFD0];
	_ =	sdelay $0x4  }
0x78: {  	vm7 =	vlt.s32 v3, $0x1A  }
0x79: {  	v57 =	vsel vm7, $0xF42400, v0  }
0x7a: {  	v4 =	vadd.s32 v57, v3  }
0x7b: {  	v4 =	vadd.s32 $0xFFFFFFE6, v4  }
0x7c: {  	vm8 =	vgt.s32 v4, $0x0  }
0x7d: {  	v4 =	vnsel vm8, $0x0, v4  }
0x7e: {  	vm9 =	veq.s32 v3, $0x19;
	v3 =	vmin.u32 v4, $0xF423FF  }
0x7f: {  	v3 =	vsel vm9, $0x0, v3  }
0x80: {  	[tilespmem:$0xFB90] =	vst v3  }
0x81: {  	v3 =	vld [tilespmem:s24+$0xFFFFFFE0];
	_ =	sdelay $0x4  }
0x82: {  	vm10 =	vlt.s32 v3, $0x1A  }
0x83: {  	v58 =	vsel vm10, $0xF42400, v0  }
0x84: {  	v4 =	vadd.s32 v58, v3  }
0x85: {  	v4 =	vadd.s32 $0xFFFFFFE6, v4  }
0x86: {  	vm11 =	vgt.s32 v4, $0x0  }
0x87: {  	v4 =	vnsel vm11, $0x0, v4  }
0x88: {  	vm12 =	veq.s32 v3, $0x19;
	v3 =	vmin.u32 v4, $0xF423FF  }
0x89: {  	v3 =	vsel vm12, $0x0, v3  }
0x8a: {  	[tilespmem:$0xFBA0] =	vst v3  }
0x8b: {  	v3 =	vld [tilespmem:s24+$0xFFFFFFF0];
	_ =	sdelay $0x4  }
0x8c: {  	vm13 =	vlt.s32 v3, $0x1A  }
0x8d: {  	v59 =	vsel vm13, $0xF42400, v0  }
0x8e: {  	v4 =	vadd.s32 v59, v3  }
0x8f: {  	v4 =	vadd.s32 $0xFFFFFFE6, v4  }
0x90: {  	vm14 =	vgt.s32 v4, $0x0  }
0x91: {  	v4 =	vnsel vm14, $0x0, v4  }
0x92: {  	vm15 =	veq.s32 v3, $0x19;
	v3 =	vmin.u32 v4, $0xF423FF  }
0x93: {  	v3 =	vsel vm15, $0x0, v3  }
0x94: {  	[tilespmem:$0xFBB0] =	vst v3  }
0x95: {  	v3 =	vld [tilespmem:s24+$0x0];
	_ =	sdelay $0x4  }
0x96: {  	vm4 =	vlt.s32 v3, $0x1A  }
0x97: {  	v60 =	vsel vm4, $0xF42400, v0  }
0x98: {  	v4 =	vadd.s32 v60, v3  }
0x99: {  	v4 =	vadd.s32 $0xFFFFFFE6, v4  }
0x9a: {  	vm5 =	vgt.s32 v4, $0x0  }
0x9b: {  	v4 =	vnsel vm5, $0x0, v4  }
0x9c: {  	vm6 =	veq.s32 v3, $0x19;
	v3 =	vmin.u32 v4, $0xF423FF  }
0x9d: {  	v3 =	vsel vm6, $0x0, v3  }
0x9e: {  	[tilespmem:$0xFBC0] =	vst v3  }
0x9f: {  	v3 =	vld [tilespmem:s24+$0x10];
	_ =	sdelay $0x4  }
0xa0: {  	vm7 =	vlt.s32 v3, $0x1A  }
0xa1: {  	v61 =	vsel vm7, $0xF42400, v0  }
0xa2: {  	v4 =	vadd.s32 v61, v3  }
0xa3: {  	v4 =	vadd.s32 $0xFFFFFFE6, v4  }
0xa4: {  	vm8 =	vgt.s32 v4, $0x0  }
0xa5: {  	v4 =	vnsel vm8, $0x0, v4  }
0xa6: {  	vm9 =	veq.s32 v3, $0x19;
	v3 =	vmin.u32 v4, $0xF423FF  }
0xa7: {  	v3 =	vsel vm9, $0x0, v3  }
0xa8: {  	[tilespmem:$0xFBD0] =	vst v3  }
0xa9: {  	v3 =	vld [tilespmem:s24+$0x20];
	_ =	sdelay $0x4  }
0xaa: {  	vm10 =	vlt.s32 v3, $0x1A  }
0xab: {  	v62 =	vsel vm10, $0xF42400, v0  }
0xac: {  	v4 =	vadd.s32 v62, v3  }
0xad: {  	v4 =	vadd.s32 $0xFFFFFFE6, v4  }
0xae: {  	vm11 =	vgt.s32 v4, $0x0  }
0xaf: {  	v4 =	vnsel vm11, $0x0, v4  }
0xb0: {  	vm12 =	veq.s32 v3, $0x19;
	v3 =	vmin.u32 v4, $0xF423FF  }
0xb1: {  	v3 =	vsel vm12, $0x0, v3  }
0xb2: {  	[tilespmem:$0xFBE0] =	vst v3  }
0xb3: {  	v3 =	vld [tilespmem:s24+$0x30];
	_ =	sdelay $0x4  }
0xb4: {  	vm13 =	vlt.s32 v3, $0x1A  }
0xb5: {  	v63 =	vsel vm13, $0xF42400, v0  }
0xb6: {  	v4 =	vadd.s32 v63, v3  }
0xb7: {  	v4 =	vadd.s32 $0xFFFFFFE6, v4  }
0xb8: {  	vm14 =	vgt.s32 v4, $0x0  }
0xb9: {  	v4 =	vnsel vm14, $0x0, v4  }
0xba: {  	p1 =	seq.s32 s26, $0x1;
	vm15 =	veq.s32 v3, $0x19;
	v3 =	vmin.u32 v4, $0xF423FF  }
.Ltmp5:
0xbb: {  	v3 =	vsel vm15, $0x0, v3;
	(pc) =	sbr.rel @p1 .LBB2_8-.Ltmp5, $4  }
0xbc: {  	s25 =	simm.s32 $0x7D80;
	[tilespmem:$0xFBF0] =	vst v3  }
0xbd: {  	[tilespmem:s25], [sflag:$0x1] =	stream.indirect.gather [hbm4b:s0+s16], $0x1, s17, s16, $0xb8;
	[tilespmem:$0x13B00] =	vst v63  }
0xbe: {  	_ =	swait.ge [sflag:s15], $0x80  }
0xbf: {  	s26 =	sadd.s32 $0xFFFFFFFF, s26;
	[sflag:s15] =	ssyncset.done $0x0  }
.LBB2_7:
0xc0: {  	[sflag:s15] =	ssyncadd.s32 $0xFFFFFF80;
	s25 =	sadd.s32 $0x80, s25;
	s24 =	sadd.s32 $0x80, s24  }
0xc1: {  	p1 =	seq.s32 s26, $0x1;
	s26 =	sadd.s32 $0xFFFFFFFF, s26;
	v3 =	vld [tilespmem:s24+$0xFFFFFFC0];
	_ =	sdelay $0x4  }
0xc2: {  	vm0 =	vlt.s32 v3, $0x1A  }
0xc3: {  	v4 =	vsel vm0, $0xF42400, v0  }
0xc4: {  	v4 =	vadd.s32 v4, v3  }
0xc5: {  	v4 =	vadd.s32 $0xFFFFFFE6, v4  }
0xc6: {  	vm0 =	vgt.s32 v4, $0x0  }
0xc7: {  	v4 =	vnsel vm0, $0x0, v4  }
0xc8: {  	vm0 =	veq.s32 v3, $0x19;
	v3 =	vmin.u32 v4, $0xF423FF  }
0xc9: {  	v3 =	vsel vm0, $0x0, v3  }
0xca: {  	[tilespmem:$0xFB80] =	vst v3  }
0xcb: {  	v3 =	vld [tilespmem:s24+$0xFFFFFFD0];
	_ =	sdelay $0x4  }
0xcc: {  	vm0 =	vlt.s32 v3, $0x1A  }
0xcd: {  	v4 =	vsel vm0, $0xF42400, v0  }
0xce: {  	v4 =	vadd.s32 v4, v3  }
0xcf: {  	v4 =	vadd.s32 $0xFFFFFFE6, v4  }
0xd0: {  	vm0 =	vgt.s32 v4, $0x0  }
0xd1: {  	v4 =	vnsel vm0, $0x0, v4  }
0xd2: {  	vm0 =	veq.s32 v3, $0x19;
	v3 =	vmin.u32 v4, $0xF423FF  }
0xd3: {  	v3 =	vsel vm0, $0x0, v3  }
0xd4: {  	[tilespmem:$0xFB90] =	vst v3  }
0xd5: {  	v3 =	vld [tilespmem:s24+$0xFFFFFFE0];
	_ =	sdelay $0x4  }
0xd6: {  	vm0 =	vlt.s32 v3, $0x1A  }
0xd7: {  	v4 =	vsel vm0, $0xF42400, v0  }
0xd8: {  	v4 =	vadd.s32 v4, v3  }
0xd9: {  	v4 =	vadd.s32 $0xFFFFFFE6, v4  }
0xda: {  	vm0 =	vgt.s32 v4, $0x0  }
0xdb: {  	v4 =	vnsel vm0, $0x0, v4  }
0xdc: {  	vm0 =	veq.s32 v3, $0x19;
	v3 =	vmin.u32 v4, $0xF423FF  }
0xdd: {  	v3 =	vsel vm0, $0x0, v3  }
0xde: {  	[tilespmem:$0xFBA0] =	vst v3  }
0xdf: {  	v3 =	vld [tilespmem:s24+$0xFFFFFFF0];
	_ =	sdelay $0x4  }
0xe0: {  	vm0 =	vlt.s32 v3, $0x1A  }
0xe1: {  	v4 =	vsel vm0, $0xF42400, v0  }
0xe2: {  	v4 =	vadd.s32 v4, v3  }
0xe3: {  	v4 =	vadd.s32 $0xFFFFFFE6, v4  }
0xe4: {  	vm0 =	vgt.s32 v4, $0x0  }
0xe5: {  	v4 =	vnsel vm0, $0x0, v4  }
0xe6: {  	vm0 =	veq.s32 v3, $0x19;
	v3 =	vmin.u32 v4, $0xF423FF  }
0xe7: {  	v3 =	vsel vm0, $0x0, v3  }
0xe8: {  	[tilespmem:$0xFBB0] =	vst v3  }
0xe9: {  	v3 =	vld [tilespmem:s24+$0x0];
	_ =	sdelay $0x4  }
0xea: {  	vm0 =	vlt.s32 v3, $0x1A  }
0xeb: {  	v4 =	vsel vm0, $0xF42400, v0  }
0xec: {  	v4 =	vadd.s32 v4, v3  }
0xed: {  	v4 =	vadd.s32 $0xFFFFFFE6, v4  }
0xee: {  	vm0 =	vgt.s32 v4, $0x0  }
0xef: {  	v4 =	vnsel vm0, $0x0, v4  }
0xf0: {  	vm0 =	veq.s32 v3, $0x19;
	v3 =	vmin.u32 v4, $0xF423FF  }
0xf1: {  	v3 =	vsel vm0, $0x0, v3  }
0xf2: {  	[tilespmem:$0xFBC0] =	vst v3  }
0xf3: {  	v3 =	vld [tilespmem:s24+$0x10];
	_ =	sdelay $0x4  }
0xf4: {  	vm0 =	vlt.s32 v3, $0x1A  }
0xf5: {  	v4 =	vsel vm0, $0xF42400, v0  }
0xf6: {  	v4 =	vadd.s32 v4, v3  }
0xf7: {  	v4 =	vadd.s32 $0xFFFFFFE6, v4  }
0xf8: {  	vm0 =	vgt.s32 v4, $0x0  }
0xf9: {  	v4 =	vnsel vm0, $0x0, v4  }
0xfa: {  	vm0 =	veq.s32 v3, $0x19;
	v3 =	vmin.u32 v4, $0xF423FF  }
0xfb: {  	v3 =	vsel vm0, $0x0, v3  }
0xfc: {  	[tilespmem:$0xFBD0] =	vst v3  }
0xfd: {  	v3 =	vld [tilespmem:s24+$0x20];
	_ =	sdelay $0x4  }
0xfe: {  	vm0 =	vlt.s32 v3, $0x1A  }
0xff: {  	v4 =	vsel vm0, $0xF42400, v0  }
0x100: {  	v4 =	vadd.s32 v4, v3  }
0x101: {  	v4 =	vadd.s32 $0xFFFFFFE6, v4  }
0x102: {  	vm0 =	vgt.s32 v4, $0x0  }
0x103: {  	v4 =	vnsel vm0, $0x0, v4  }
0x104: {  	vm0 =	veq.s32 v3, $0x19;
	v3 =	vmin.u32 v4, $0xF423FF  }
0x105: {  	v3 =	vsel vm0, $0x0, v3  }
0x106: {  	[tilespmem:$0xFBE0] =	vst v3  }
0x107: {  	v3 =	vld [tilespmem:s24+$0x30];
	_ =	sdelay $0x4  }
0x108: {  	vm0 =	vlt.s32 v3, $0x1A  }
0x109: {  	v4 =	vsel vm0, $0xF42400, v0  }
0x10a: {  	v4 =	vadd.s32 v4, v3  }
0x10b: {  	v4 =	vadd.s32 $0xFFFFFFE6, v4  }
0x10c: {  	vm0 =	vgt.s32 v4, $0x0  }
0x10d: {  	v4 =	vnsel vm0, $0x0, v4  }
0x10e: {  	vm0 =	veq.s32 v3, $0x19;
	v3 =	vmin.u32 v4, $0xF423FF  }
.Ltmp6:
0x10f: {  	v3 =	vsel vm0, $0x0, v3;
	(pc) =	sbr.rel @!p1 .LBB2_7-.Ltmp6, $4  }
0x110: {  	[tilespmem:$0xFBF0] =	vst v3  }
0x111: {  	[tilespmem:s25], [sflag:$0x1] =	stream.indirect.gather [hbm4b:s0+s16], $0x1, s17, s16, $0xb8;
	[tilespmem:$0x13B00] =	vst v63  }
0x112: {  	_ =	swait.ge [sflag:s15], $0x80  }
0x113: {  	[sflag:s15] =	ssyncset.done $0x0  }
.LBB2_8:
0x114: {  	[sflag:s15] =	ssyncadd.s32 $0xFFFFFF80  }
.LBB2_9:
.Ltmp7:
0x115: {  	(pc) =	sbr.rel .LBB2_10-.Ltmp7, $2  }
0x116: {  	_ =	sdelay $0x2  }
0x117: {  	v3 =	vmov s23;
	s23 =	simm.s32 $0x0  }
.LBB2_20:
0x118: {  	s23 =	sadd.s32 $0x1, s23  }
0x119: {  	p1 =	sne.s32 s23, $0x32  }
.Ltmp8:
0x11a: {  	s2 =	sadd.s32 s7, s24;
	(pc) =	sbr.rel @!p1 .LBB2_21-.Ltmp8, $4  }
0x11b: {  	[hbm4b:s2+s8] =	stream.linear.scatter [tilespmem:s18], [sflag:$0x2], $0x2710, $0x38;
	[tilespmem:$0x13B00] =	vst v63  }
0x11c: {  	_ =	swait.ge [sflag:s13], $0x2710  }
0x11d: {  	[sflag:s13] =	ssyncset.done $0x0  }
0x11e: {  	[sflag:s13] =	ssyncadd.s32 $0xFFFFD8F0  }
.LBB2_10:
0x11f: {  	s2 =	smul.u32 $0x2710, s23;
	_ =	sdelay $0x1  }
0x120: {  	s2 =	sadd.s32 s9, s2  }
0x121: {  	s24 =	sshrl.u32 s2, $0x3  }
0x122: {  	s5 =	sadd.s32 s0, s24  }
0x123: {  	[tilespmem:s18], [sflag:$0x2] =	stream.linear.gather [hbm4b:s5+s8], $0x2710, $0x38;
	[tilespmem:$0x13B00] =	vst v63  }
0x124: {  	_ =	swait.ge [sflag:s13], $0x2710  }
0x125: {  	[sflag:s13] =	ssyncset.done $0x0  }
0x126: {  	[sflag:s13] =	ssyncadd.s32 $0xFFFFD8F0  }
0x127: {  	v4 =	vld.idx.msk [tilespmem:v2+s23+$0x0 ss:$0x1], $0xffff  }
0x128: {  	v5 =	vld.idx.msk [tilespmem:v2+s23+$0x1 ss:$0x1], $0xffff;
	_ =	sdelay $0x3  }
0x129: {  	(v2sf) =	vpush v4, $0x0  }
0x12a: {  	(v2sf) =	vpush v5, $0x0;
	_ =	sdelay $0xd  }
0x12b: {  	s31 =	spop (v2sf)  }
0x12c: {  	s5 =	sadd.s32 $0xFFFFFFC0, s31;
	s25 =	spop (v2sf)  }
0x12d: {  	p1 =	sgt.s32 s5, $0x0;
	s25 =	sadd.s32 $0x40, s25  }
0x12e: {  	s5 =	simm.s32 @!p1 $0x0;
	p1 =	slt.s32 s25, $0x5D4300  }
0x12f: {  	s25 =	simm.s32 @!p1 $0x5D4300;
	s26 =	sand.u32 $0x7FFFFFF8, s5  }
0x130: {  	s5 =	ssub.s32 s25, s26  }
0x131: {  	s5 =	sadd.s32 $0x7FF, s5  }
0x132: {  	s28 =	sand.u32 $0x7FF, s5  }
0x133: {  	p2 =	slt.s32 s5, $0x1;
	p6 =	sne.s32 s28, $0x0;
	s28 =	sshra.s32 s5, $0x1F  }
0x134: {  	s28 =	sshrl.u32 s28, $0x15;
	p1 =	por !p2, !p6  }
0x135: {  	s5 =	sadd.s32 s28, s5;
	p1 =	por !p1, !p1;
	s28 =	simm.s32 $0x1  }
0x136: {  	s5 =	sshra.s32 s5, $0xB;
	s28 =	simm.s32 @!p1 $0x0  }
0x137: {  	s28 =	ssub.s32 s5, s28  }
0x138: {  	p1 =	slt.s32 s28, $0x1  }
.Ltmp9:
0x139: {  	_ = 	snop;
	(pc) =	sbr.rel @p1 .LBB2_20-.Ltmp9, $1  }
0x13a: {  	_ =	sdelay $0x3  }
.Ltmp10:
0x13b: {  	(pc) =	sbr.rel .LBB2_12-.Ltmp10, $3  }
0x13c: {  	_ =	sdelay $0x1  }
0x13d: {  	s5 =	sadd.s32 $0x2710, s2  }
0x13e: {  	v4 =	vmov s2;
	s29 =	simm.s32 $0x0;
	v5 =	vmov s5  }
.LBB2_14:
0x13f: {  	s31 =	simm.s32 $0x12381  }
.LBB2_18:
0x140: {  	s2 =	sadd.s32 @p1 $0x10, s31  }
0x141: {  	s30 =	smov.u32 @p1 s2  }
0x142: {  	v7 =	vshrl.u32 v6, $0x8;
	v8 =	vld [tilespmem:s30+$0x0]  }
0x143: {  	v7 =	vand.u32 $0x7FFF, v7;
	v9 =	vld [tilespmem:s30+$0xFFFFFFFF]  }
0x144: {  	v7 =	vsub.s32 v7, v3  }
0x145: {  	vm0 =	vgt.s32 v7, $0x0  }
0x146: {  	v7 =	vnsel vm0, $0x0, v7  }
0x147: {  	v7 =	vmin.u32 v7, $0x7D7F  }
0x148: {  	vm1 =	vlt.s32 v6, $0x40000000;
	vm13 =	vne.s32 v9, v8  }
0x149: {  	vm14 =	vge.s32 v9, v4;
	vm0 =	vmand vm13, vm1  }
0x14a: {  	vm15 =	vlt.s32 v9, v5;
	vm0 =	vmand vm14, vm0  }
0x14b: {  	v6 =	vsub.s32 v9, v4;
	vm0 =	vmand vm15, vm0  }
0x14c: {  	v7 =	vld.idx.msk [tilespmem:v7+s21+$0x0], $0xffff;
	v6 =	vsel vm0, v6, v1;
	_ =	sdelay $0x4  }
0x14d: {  	[tilespmem:v6+s18+$0x0] =	vst.idx.msk vm0, v7  }
.LBB2_19:
0x14e: {  	s29 =	sadd.s32 $0x1, s29  }
0x14f: {  	p1 =	sne.s32 s29, s28  }
.Ltmp11:
0x150: {  	_ = 	snop;
	(pc) =	sbr.rel @!p1 .LBB2_20-.Ltmp11, $1  }
0x151: {  	_ =	sdelay $0x3  }
.LBB2_12:
0x152: {  	s2 =	sshll.u32 s29, $0xB  }
0x153: {  	s2 =	sadd.s32 s26, s2  }
0x154: {  	p1 =	slt.s32 s2, $0x5D3B00  }
0x155: {  	s2 =	simm.s32 @!p1 $0x5D3B00  }
0x156: {  	s5 =	sshrl.u32 s2, $0x3  }
0x157: {  	s2 =	ssub.s32 s25, s2;
	s30 =	sadd.s32 s3, s5  }
0x158: {  	[tilespmem:s19], [sflag:$0x1] =	stream.linear.gather [hbm4b:s30+s8], $0x810, $0x38;
	[tilespmem:$0x13B00] =	vst v63  }
0x159: {  	s5 =	sadd.s32 s4, s5;
	s2 =	sadd.s32 $0xF, s2  }
0x15a: {  	[tilespmem:s20], [sflag:$0x1] =	stream.linear.gather [hbm4b:s5+s8], $0x810, $0x38;
	[tilespmem:$0x13B00] =	vst v63  }
0x15b: {  	s5 =	sand.u32 $0xF, s2  }
0x15c: {  	s31 =	sshra.s32 s2, $0x1F;
	p6 =	slt.s32 s2, $0x1;
	p2 =	sne.s32 s5, $0x0  }
0x15d: {  	s31 =	sshrl.u32 s31, $0x1C;
	p1 =	por !p6, !p2  }
0x15e: {  	s2 =	sadd.s32 s31, s2;
	s5 =	simm.s32 $0x1;
	p1 =	por !p1, !p1  }
0x15f: {  	s2 =	sshra.s32 s2, $0x4;
	s5 =	simm.s32 @!p1 $0x0  }
0x160: {  	s2 =	ssub.s32 s2, s5  }
0x161: {  	_ =	swait.ge [sflag:s15], $0x810;
	p1 =	slt.s32 s2, $0x1  }
.Ltmp12:
0x162: {  	[sflag:s15] =	ssyncset.done $0x0;
	(pc) =	sbr.rel @p1 .LBB2_19-.Ltmp12, $4  }
0x163: {  	[sflag:s15] =	ssyncadd.s32 $0xFFFFF7F0  }
0x164: {  	_ =	swait.ge [sflag:s15], $0x810  }
0x165: {  	[sflag:s15] =	ssyncset.done $0x0  }
0x166: {  	[sflag:s15] =	ssyncadd.s32 $0xFFFFF7F0  }
0x167: {  	s2 =	smin.u32 s2, $0x80  }
0x168: {  	p2 =	sne.s32 s2, $0x1  }
.Ltmp13:
0x169: {  	_ = 	snop;
	(pc) =	sbr.rel @!p2 .LBB2_14-.Ltmp13, $3  }
0x16a: {  	s5 =	simm.s32 $0x12C00  }
0x16b: {  	v6 =	vld [tilespmem:s5+$0x0];
	_ =	sdelay $0x1  }
0x16c: {  	s30 =	simm.s32 $0x12381;
	p1 =	por $0x0, $0x0;
	s2 =	sadd.s32 $0xFFFFFFFF, s2  }
0x16d: {  	_ =	sdelay $0x1  }
0x16e: {  	v8 =	vld [tilespmem:s30+$0x0];
	v7 =	vshrl.u32 v6, $0x8  }
0x16f: {  	v9 =	vld [tilespmem:s30+$0xFFFFFFFF];
	v7 =	vand.u32 $0x7FFF, v7  }
0x170: {  	v7 =	vsub.s32 v7, v3  }
0x171: {  	vm0 =	vgt.s32 v7, $0x0  }
0x172: {  	v7 =	vnsel vm0, $0x0, v7  }
0x173: {  	v7 =	vmin.u32 v7, $0x7D7F  }
0x174: {  	vm1 =	vlt.s32 v6, $0x40000000;
	vm13 =	vne.s32 v9, v8  }
0x175: {  	vm14 =	vge.s32 v9, v4;
	vm0 =	vmand vm13, vm1  }
0x176: {  	vm15 =	vlt.s32 v9, v5;
	vm0 =	vmand vm14, vm0  }
0x177: {  	v6 =	vsub.s32 v9, v4;
	vm0 =	vmand vm15, vm0  }
0x178: {  	v6 =	vsel vm0, v6, v1;
	v7 =	vld.idx.msk [tilespmem:v7+s21+$0x0], $0xffff;
	_ =	sdelay $0x2  }
0x179: {  	p2 =	sne.s32 s2, $0x1  }
.Ltmp14:
0x17a: {  	_ = 	snop;
	(pc) =	sbr.rel @!p2 .LBB2_16-.Ltmp14, $3  }
0x17b: {  	s5 =	simm.s32 $0x12C10;
	[tilespmem:v6+s18+$0x0] =	vst.idx.msk vm0, v7  }
0x17c: {  	v6 =	vld [tilespmem:s5+$0x0];
	_ =	sdelay $0x1  }
0x17d: {  	s2 =	sadd.s32 $0xFFFFFFFF, s2;
	p1 =	por $0x1, $0x1;
	s31 =	simm.s32 $0x12381  }
.LBB2_17:
0x17e: {  	p2 =	sne.s32 s2, $0x1;
	_ =	sdelay $0x3  }
0x17f: {  	v7 =	vshrl.u32 v6, $0x8;
	s31 =	sadd.s32 $0x10, s31  }
0x180: {  	v7 =	vand.u32 $0x7FFF, v7;
	v8 =	vld [tilespmem:s31+$0x0]  }
0x181: {  	v7 =	vsub.s32 v7, v3;
	v9 =	vld [tilespmem:s31+$0xFFFFFFFF]  }
0x182: {  	vm0 =	vgt.s32 v7, $0x0  }
0x183: {  	v7 =	vnsel vm0, $0x0, v7  }
0x184: {  	v7 =	vmin.u32 v7, $0x7D7F;
	_ =	sdelay $0x1  }
0x185: {  	vm1 =	vlt.s32 v6, $0x40000000;
	vm0 =	vne.s32 v9, v8  }
0x186: {  	vm0 =	vmand vm0, vm1;
	vm1 =	vge.s32 v9, v4  }
0x187: {  	vm0 =	vmand vm1, vm0;
	vm1 =	vlt.s32 v9, v5  }
0x188: {  	vm0 =	vmand vm1, vm0;
	v6 =	vld.idx.msk [tilespmem:v7+s21+$0x0], $0xffff;
	v7 =	vsub.s32 v9, v4  }
0x189: {  	v7 =	vsel vm0, v7, v1;
	_ =	sdelay $0x1  }
.Ltmp15:
0x18a: {  	(pc) =	sbr.rel @p2 .LBB2_17-.Ltmp15, $3  }
0x18b: {  	_ =	sdelay $0x1  }
0x18c: {  	s5 =	sadd.s32 $0x10, s5;
	[tilespmem:v7+s18+$0x0] =	vst.idx.msk vm0, v6  }
0x18d: {  	s2 =	sadd.s32 $0xFFFFFFFF, s2;
	v6 =	vld [tilespmem:s5+$0x0]  }
.Ltmp16:
0x18e: {  	_ = 	snop;
	(pc) =	sbr.rel .LBB2_18-.Ltmp16, $1  }
0x18f: {  	_ =	sdelay $0x3  }
.LBB2_16:
.Ltmp17:
0x190: {  	(pc) =	sbr.rel .LBB2_18-.Ltmp17, $2  }
0x191: {  	_ =	sdelay $0x2  }
0x192: {  	s31 =	simm.s32 $0x12381  }
.LBB2_22:
0x193: {  	_ =	sfence.sel $0x180000  }
0x194: {  	[bflag:$0x0] =	sbarrier.arrive $0xFFFF  }
0x195: {  	_ =	strace $0x90000047  }
0x196: {  	s0 =	stileid.u32;
	[bflag:$0x2] =	sbarrier.arrive $0xFFFF  }
0x197: {  	p0 =	sne.s32 s0, $0x0;
	s0 =	rddreg [dreg:$0x6]  }
0x198: {  	s0 =	sadd.s32 @!p0 $0x100000, s0  }
0x199: {  	[sflag:s0] =	ssyncadd.tile.s32 @!p0 $0x1;
	_ =	shalt  }
.Lfunc_end2:
_tile_overlayer_lowered:
.L_overlay_start_2:
0x19a: {  	(tag) =	ssettag $0x2  }
0x19b: {  	s0 =	rddreg [dreg:$0x0];
	s2 =	stileid.u32  }
0x19c: {  	s1 =	rddreg [dreg:$0x1];
	p0 =	sne.s32 s2, $0x0  }
0x19d: {  	s3 =	rddreg [dreg:$0x2];
	[bflag:$0x3] =	sbarrier.arrive $0xFFFF;
	s2 =	simm.s32 @!p0 $0x1C02  }
0x19e: {  	[timem:s3], [sflag:s2] =	dma.local @!p0 [hbm:s0], s1  }
0x19f: {  	s0 =	simm.s32 @!p0 $0x2  }
0x1a0: {  	_ =	swait.ge @!p0 [sflag:s0], s1  }
0x1a1: {  	s1 =	ssub.s32 @!p0 $0x0, s1;
	[sflag:s0] =	ssyncset.done @!p0 $0x0  }
0x1a2: {  	[sflag:s0] =	ssyncadd.s32 @!p0 s1  }
0x1a3: {  	[bflag:$0x3] =	sbarrier.arrive $0xFFFF  }
0x1a4: {  	_ =	shalt  }

</sc_bundles>
